<compile_context>
chip_gen: v7x
topology: tpu7x:2x2x1
jax: 0.10.2.dev20260603
libtpu: 0.0.44.dev20260713+nightly
codegen_flags: <defaults>
</compile_context>

<pallas_src>
import functools

import jax
import jax.numpy as jnp
from jax import lax
from jax.experimental import pallas as pl
from jax.experimental.pallas import tpu as pltpu
from jax.experimental.pallas import tpu_sc as plsc

_LANES = 16
_SUB = 8
_BLK = 512


@functools.lru_cache(maxsize=None)
def _build_sc_lookup(n_batch: int, n_seq: int, n_rows: int, n_cols: int):
    info = plsc.get_sparse_core_info()
    num_cores, num_subcores = info.num_cores, info.num_subcores
    n_workers = num_cores * num_subcores

    assert n_seq % _SUB == 0 and n_batch % _BLK == 0
    n_stiles = n_seq // _SUB
    n_bblks = n_batch // _BLK
    n_units = n_stiles * n_bblks
    assert n_units % n_workers == 0
    units_per_w = n_units // n_workers
    groups = _SUB * _BLK // _LANES
    grp_per_row = _BLK // _LANES

    mesh = plsc.VectorSubcoreMesh(core_axis_name="c", subcore_axis_name="s")

    @functools.partial(
        pl.kernel,
        mesh=mesh,
        out_type=jax.ShapeDtypeStruct((n_cols, n_seq, n_batch), jnp.float32),
        compiler_params=pltpu.CompilerParams(needs_layout_passes=False),
        scratch_types=[
            pltpu.VMEM((n_rows * n_cols,), jnp.float32),
            pltpu.VMEM((_SUB, _BLK), jnp.int32),
            pltpu.VMEM((_SUB, _BLK), jnp.int32),
            pltpu.VMEM((n_cols, _SUB, _BLK), jnp.float32),
            pltpu.VMEM((n_cols, _SUB, _BLK), jnp.float32),
            pltpu.SemaphoreType.DMA,
            pltpu.SemaphoreType.DMA,
            pltpu.SemaphoreType.DMA,
            pltpu.SemaphoreType.DMA,
        ],
    )
    def lookup(
        idx_hbm, tbl_hbm, out_hbm, tbl,
        idx_a, idx_b, out_a, out_b, isem_a, isem_b, osem_a, osem_b,
    ):
        wid = lax.axis_index("s") * num_cores + lax.axis_index("c")
        pltpu.sync_copy(tbl_hbm, tbl)
        u0 = wid * units_per_w
        bufs = ((idx_a, out_a, isem_a, osem_a), (idx_b, out_b, isem_b, osem_b))

        def idx_copy(u, ib, sem):
            s0 = (u // n_bblks) * _SUB
            b0 = (u % n_bblks) * _BLK
            return pltpu.make_async_copy(
                idx_hbm.at[pl.ds(s0, _SUB), pl.ds(b0, _BLK)], ib, sem
            )

        def out_copy(u, ob, sem):
            s0 = (u // n_bblks) * _SUB
            b0 = (u % n_bblks) * _BLK
            return pltpu.make_async_copy(
                ob, out_hbm.at[:, pl.ds(s0, _SUB), pl.ds(b0, _BLK)], sem
            )

        def compute(ib, ob):
            @plsc.parallel_loop(0, groups, unroll=8)
            def group_body(g):
                r = g // grp_per_row
                c = (g % grp_per_row) * _LANES
                iv = ib[r, pl.ds(c, _LANES)]
                for k in range(n_cols):
                    val = plsc.load_gather(tbl, [iv + k * n_rows])
                    ob[k, r, pl.ds(c, _LANES)] = val

        idx_copy(u0, idx_a, isem_a).start()
        idx_copy(u0 + 1, idx_b, isem_b).start()
        n_pairs = units_per_w // 2

        def pair_body(j, carry):
            for p, (ib, ob, isem, osem) in enumerate(bufs):
                i = u0 + 2 * j + p
                idx_copy(i, ib, isem).wait()

                @pl.when(j > 0)
                def _():
                    out_copy(i - 2, ob, osem).wait()

                compute(ib, ob)
                out_copy(i, ob, osem).start()

                @pl.when(2 * j + p + 2 < units_per_w)
                def _():
                    idx_copy(i + 2, ib, isem).start()

            return carry

        lax.fori_loop(0, n_pairs, pair_body, 0)

        if units_per_w % 2:
            last = u0 + units_per_w - 1
            idx_copy(last, idx_a, isem_a).wait()
            out_copy(last - 2, out_a, osem_a).wait()
            compute(idx_a, out_a)
            out_copy(last, out_a, osem_a).start()
            out_copy(last - 1, out_b, osem_b).wait()
            out_copy(last, out_a, osem_a).wait()
        else:
            out_copy(u0 + units_per_w - 2, out_a, osem_a).wait()
            out_copy(u0 + units_per_w - 1, out_b, osem_b).wait()

    return lookup


def kernel(atomic_numbers, weight):
    n_batch, n_seq = atomic_numbers.shape
    n_rows, n_cols = weight.shape
    lookup = _build_sc_lookup(n_batch, n_seq, n_rows, n_cols)
    idx_t = atomic_numbers.T
    tbl_t = weight.T.reshape(n_rows * n_cols)
    out_t = lookup(idx_t, tbl_t)
    return out_t.transpose(2, 1, 0)

# --- scband reference (transcript-rebuilt; emitter-appended) ---
"""Pipeline reference for scband-element-mask-24129126269306 (READ-ONLY COPY).

The authoritative reference and input builder live on the scoring server;
editing this copy changes nothing except your own understanding.
"""

import jax, jax.numpy as jnp
import numpy as np

ELEMENTS = [1, 6, 7, 8, 9, 14, 15, 16, 17, 35]


def setup_inputs(seed: int = 0) -> dict:
    key = jax.random.key(seed)
    atomic_numbers = jax.random.randint(key, (16384, 200), 0, 100)
    nelems = len(ELEMENTS)
    weights = np.zeros((100, nelems), dtype=np.float32)
    weights[ELEMENTS, range(nelems)] = 1.0
    weight = jnp.asarray(weights)
    return {"atomic_numbers": atomic_numbers, "weight": weight}


def reference(atomic_numbers, weight):
    # nn.Embedding lookup: rows of the one-hot mask table gathered by atomic number
    return jnp.take(weight, atomic_numbers, axis=0)

if __name__ == "__main__":
    import jax
    _d = setup_inputs()
    print(jax.jit(kernel)(*tuple(_d.values())))

</pallas_src>

<mosaic_0001>
#map = affine_map<(d0, d1) -> (0, 0)>
#map1 = affine_map<(d0, d1) -> (0)>
#map2 = affine_map<(d0, d1) -> (0, 0, 0)>
module attributes {stable_mosaic.version = 14 : i64} {
  func.func @lookup(%arg0: i32, %arg1: i32, %arg2: memref<200x16384xi32, #tpu.memory_space<hbm>>, %arg3: memref<1000xf32, #tpu.memory_space<hbm>>, %arg4: memref<10x200x16384xf32, #tpu.memory_space<hbm>>, %arg5: memref<1000xf32, #tpu.memory_space<vmem>>, %arg6: memref<8x512xi32, #tpu.memory_space<vmem>>, %arg7: memref<8x512xi32, #tpu.memory_space<vmem>>, %arg8: memref<10x8x512xf32, #tpu.memory_space<vmem>>, %arg9: memref<10x8x512xf32, #tpu.memory_space<vmem>>, %arg10: memref<!tpu.dma_semaphore, #tpu.memory_space<semaphore_mem>>, %arg11: memref<!tpu.dma_semaphore, #tpu.memory_space<semaphore_mem>>, %arg12: memref<!tpu.dma_semaphore, #tpu.memory_space<semaphore_mem>>, %arg13: memref<!tpu.dma_semaphore, #tpu.memory_space<semaphore_mem>>) attributes {dimension_semantics = [#tpu.dimension_semantics<core_parallel>, #tpu.dimension_semantics<subcore_parallel>], iteration_bounds = array<i64: 2, 16>, scalar_prefetch = 0 : i64, scratch_operands = 9 : i64, tpu.core_type = #tpu.core_type<sc_vector_subcore>, window_params = [{transform_indices = #map}, {transform_indices = #map1}, {transform_indices = #map2}]} {
    %mul3A = arith.constant 2 : i32
    %mul3A_0 = arith.muli %arg1, %mul3A : i32
    %add3A = arith.addi %mul3A_0, %arg0 : i32
    "tpu.region"() ({
      %run_scoped3A = tpu.sem_alloc : memref<!tpu.dma_semaphore, #tpu.memory_space<semaphore_mem>>
      tpu.enqueue_dma source(%arg3 : memref<1000xf32, #tpu.memory_space<hbm>>) target(%arg5 : memref<1000xf32, #tpu.memory_space<vmem>>) target_semaphore(%run_scoped3A : memref<!tpu.dma_semaphore, #tpu.memory_space<semaphore_mem>>)
      tpu.wait_dma2 semaphore(%run_scoped3A : memref<!tpu.dma_semaphore, #tpu.memory_space<semaphore_mem>>) src(%arg3 : memref<1000xf32, #tpu.memory_space<hbm>>) dst(%arg5 : memref<1000xf32, #tpu.memory_space<vmem>>)
      tpu.yield
    }) : () -> ()
    %mul3A_1 = arith.constant 25 : i32
    %mul3A_2 = arith.muli %add3A, %mul3A_1 : i32
    %jit3A = arith.constant 32 : i32
    %div3A = arith.divsi %mul3A_2, %jit3A : i32
    %sign3A = arith.constant 0 : i32
    %sign3A_3 = arith.cmpi sgt, %mul3A_2, %sign3A : i32
    %sign3A_4 = arith.extui %sign3A_3 : i1 to i32
    %sign3A_5 = arith.constant 0 : i32
    %sign3A_6 = arith.cmpi slt, %mul3A_2, %sign3A_5 : i32
    %sign3A_7 = arith.extui %sign3A_6 : i1 to i32
    %sign3A_8 = arith.subi %sign3A_4, %sign3A_7 : i32
    %sign3A_9 = arith.constant 0 : i32
    %sign3A_10 = arith.cmpi sgt, %jit3A, %sign3A_9 : i32
    %sign3A_11 = arith.extui %sign3A_10 : i1 to i32
    %sign3A_12 = arith.constant 0 : i32
    %sign3A_13 = arith.cmpi slt, %jit3A, %sign3A_12 : i32
    %sign3A_14 = arith.extui %sign3A_13 : i1 to i32
    %sign3A_15 = arith.subi %sign3A_11, %sign3A_14 : i32
    %ne3A = arith.cmpi ne, %sign3A_8, %sign3A_15 : i32
    %rem3A = arith.remsi %mul3A_2, %jit3A : i32
    %ne3A_16 = arith.constant 0 : i32
    %ne3A_17 = arith.cmpi ne, %rem3A, %ne3A_16 : i32
    %and3A = arith.andi %ne3A, %ne3A_17 : i1
    %sub3A = arith.constant 1 : i32
    %sub3A_18 = arith.subi %div3A, %sub3A : i32
    %select_n3A = arith.select %and3A, %sub3A_18, %div3A : i32
    %mul3A_19 = arith.constant 8 : i32
    %mul3A_20 = arith.muli %select_n3A, %mul3A_19 : i32
    %jit3A_21 = arith.constant 32 : i32
    %eq3A = arith.constant 0 : i32
    %eq3A_22 = arith.cmpi eq, %jit3A_21, %eq3A : i32
    %jit3A_23 = arith.constant 1 : i32
    %select_n3A_24 = arith.select %eq3A_22, %jit3A_23, %jit3A_21 : i32
    %rem3A_25 = arith.remsi %mul3A_2, %select_n3A_24 : i32
    %ne3A_26 = arith.constant 0 : i32
    %ne3A_27 = arith.cmpi ne, %rem3A_25, %ne3A_26 : i32
    %lt3A = arith.constant 0 : i32
    %lt3A_28 = arith.cmpi slt, %rem3A_25, %lt3A : i32
    %lt3A_29 = arith.constant 0 : i32
    %lt3A_30 = arith.cmpi slt, %select_n3A_24, %lt3A_29 : i32
    %ne3A_31 = arith.xori %lt3A_28, %lt3A_30 : i1
    %and3A_32 = arith.andi %ne3A_31, %ne3A_27 : i1
    %add3A_33 = arith.addi %rem3A_25, %select_n3A_24 : i32
    %select_n3A_34 = arith.select %and3A_32, %add3A_33, %rem3A_25 : i32
    %mul3A_35 = arith.constant 512 : i32
    %mul3A_36 = arith.muli %select_n3A_34, %mul3A_35 : i32
    %dma_start3A = tpu.memref_slice %arg2[%mul3A_20, %mul3A_36] : memref<200x16384xi32, #tpu.memory_space<hbm>> -> memref<8x512xi32, #tpu.memory_space<hbm>>
    %dma_start3A_37 = tpu.memref_slice %arg2[%mul3A_20, %mul3A_36] : memref<200x16384xi32, #tpu.memory_space<hbm>> -> memref<8x512xi32, #tpu.memory_space<hbm>>
    tpu.enqueue_dma source(%dma_start3A_37 : memref<8x512xi32, #tpu.memory_space<hbm>>) target(%arg6 : memref<8x512xi32, #tpu.memory_space<vmem>>) target_semaphore(%arg10 : memref<!tpu.dma_semaphore, #tpu.memory_space<semaphore_mem>>)
    %add3A_38 = arith.constant 1 : i32
    %add3A_39 = arith.addi %mul3A_2, %add3A_38 : i32
    %jit3A_40 = arith.constant 32 : i32
    %div3A_41 = arith.divsi %add3A_39, %jit3A_40 : i32
    %sign3A_42 = arith.constant 0 : i32
    %sign3A_43 = arith.cmpi sgt, %add3A_39, %sign3A_42 : i32
    %sign3A_44 = arith.extui %sign3A_43 : i1 to i32
    %sign3A_45 = arith.constant 0 : i32
    %sign3A_46 = arith.cmpi slt, %add3A_39, %sign3A_45 : i32
    %sign3A_47 = arith.extui %sign3A_46 : i1 to i32
    %sign3A_48 = arith.subi %sign3A_44, %sign3A_47 : i32
    %sign3A_49 = arith.constant 0 : i32
    %sign3A_50 = arith.cmpi sgt, %jit3A_40, %sign3A_49 : i32
    %sign3A_51 = arith.extui %sign3A_50 : i1 to i32
    %sign3A_52 = arith.constant 0 : i32
    %sign3A_53 = arith.cmpi slt, %jit3A_40, %sign3A_52 : i32
    %sign3A_54 = arith.extui %sign3A_53 : i1 to i32
    %sign3A_55 = arith.subi %sign3A_51, %sign3A_54 : i32
    %ne3A_56 = arith.cmpi ne, %sign3A_48, %sign3A_55 : i32
    %rem3A_57 = arith.remsi %add3A_39, %jit3A_40 : i32
    %ne3A_58 = arith.constant 0 : i32
    %ne3A_59 = arith.cmpi ne, %rem3A_57, %ne3A_58 : i32
    %and3A_60 = arith.andi %ne3A_56, %ne3A_59 : i1
    %sub3A_61 = arith.constant 1 : i32
    %sub3A_62 = arith.subi %div3A_41, %sub3A_61 : i32
    %select_n3A_63 = arith.select %and3A_60, %sub3A_62, %div3A_41 : i32
    %mul3A_64 = arith.constant 8 : i32
    %mul3A_65 = arith.muli %select_n3A_63, %mul3A_64 : i32
    %jit3A_66 = arith.constant 32 : i32
    %eq3A_67 = arith.constant 0 : i32
    %eq3A_68 = arith.cmpi eq, %jit3A_66, %eq3A_67 : i32
    %jit3A_69 = arith.constant 1 : i32
    %select_n3A_70 = arith.select %eq3A_68, %jit3A_69, %jit3A_66 : i32
    %rem3A_71 = arith.remsi %add3A_39, %select_n3A_70 : i32
    %ne3A_72 = arith.constant 0 : i32
    %ne3A_73 = arith.cmpi ne, %rem3A_71, %ne3A_72 : i32
    %lt3A_74 = arith.constant 0 : i32
    %lt3A_75 = arith.cmpi slt, %rem3A_71, %lt3A_74 : i32
    %lt3A_76 = arith.constant 0 : i32
    %lt3A_77 = arith.cmpi slt, %select_n3A_70, %lt3A_76 : i32
    %ne3A_78 = arith.xori %lt3A_75, %lt3A_77 : i1
    %and3A_79 = arith.andi %ne3A_78, %ne3A_73 : i1
    %add3A_80 = arith.addi %rem3A_71, %select_n3A_70 : i32
    %select_n3A_81 = arith.select %and3A_79, %add3A_80, %rem3A_71 : i32
    %mul3A_82 = arith.constant 512 : i32
    %mul3A_83 = arith.muli %select_n3A_81, %mul3A_82 : i32
    %dma_start3A_84 = tpu.memref_slice %arg2[%mul3A_65, %mul3A_83] : memref<200x16384xi32, #tpu.memory_space<hbm>> -> memref<8x512xi32, #tpu.memory_space<hbm>>
    %dma_start3A_85 = tpu.memref_slice %arg2[%mul3A_65, %mul3A_83] : memref<200x16384xi32, #tpu.memory_space<hbm>> -> memref<8x512xi32, #tpu.memory_space<hbm>>
    tpu.enqueue_dma source(%dma_start3A_85 : memref<8x512xi32, #tpu.memory_space<hbm>>) target(%arg7 : memref<8x512xi32, #tpu.memory_space<vmem>>) target_semaphore(%arg11 : memref<!tpu.dma_semaphore, #tpu.memory_space<semaphore_mem>>)
    %scan3A = arith.constant 0 : i32
    %scan3A_86 = arith.constant 0 : i32
    %scan3A_87 = arith.constant 12 : i32
    %scan3A_88 = arith.addi %scan3A_86, %scan3A_87 : i32
    %scan3A_89 = arith.constant 1 : i32
    scf.for %scan3A_338 = %scan3A_86 to %scan3A_88 step %scan3A_89  : i32 {
      %mul3A_339 = arith.constant 2 : i32
      %mul3A_340 = arith.muli %mul3A_339, %scan3A_338 : i32
      %add3A_341 = arith.addi %mul3A_2, %mul3A_340 : i32
      %add3A_342 = arith.constant 0 : i32
      %add3A_343 = arith.addi %add3A_341, %add3A_342 : i32
      %jit3A_344 = arith.constant 32 : i32
      %div3A_345 = arith.divsi %add3A_343, %jit3A_344 : i32
      %sign3A_346 = arith.constant 0 : i32
      %sign3A_347 = arith.cmpi sgt, %add3A_343, %sign3A_346 : i32
      %sign3A_348 = arith.extui %sign3A_347 : i1 to i32
      %sign3A_349 = arith.constant 0 : i32
      %sign3A_350 = arith.cmpi slt, %add3A_343, %sign3A_349 : i32
      %sign3A_351 = arith.extui %sign3A_350 : i1 to i32
      %sign3A_352 = arith.subi %sign3A_348, %sign3A_351 : i32
      %sign3A_353 = arith.constant 0 : i32
      %sign3A_354 = arith.cmpi sgt, %jit3A_344, %sign3A_353 : i32
      %sign3A_355 = arith.extui %sign3A_354 : i1 to i32
      %sign3A_356 = arith.constant 0 : i32
      %sign3A_357 = arith.cmpi slt, %jit3A_344, %sign3A_356 : i32
      %sign3A_358 = arith.extui %sign3A_357 : i1 to i32
      %sign3A_359 = arith.subi %sign3A_355, %sign3A_358 : i32
      %ne3A_360 = arith.cmpi ne, %sign3A_352, %sign3A_359 : i32
      %rem3A_361 = arith.remsi %add3A_343, %jit3A_344 : i32
      %ne3A_362 = arith.constant 0 : i32
      %ne3A_363 = arith.cmpi ne, %rem3A_361, %ne3A_362 : i32
      %and3A_364 = arith.andi %ne3A_360, %ne3A_363 : i1
      %sub3A_365 = arith.constant 1 : i32
      %sub3A_366 = arith.subi %div3A_345, %sub3A_365 : i32
      %select_n3A_367 = arith.select %and3A_364, %sub3A_366, %div3A_345 : i32
      %mul3A_368 = arith.constant 8 : i32
      %mul3A_369 = arith.muli %select_n3A_367, %mul3A_368 : i32
      %jit3A_370 = arith.constant 32 : i32
      %eq3A_371 = arith.constant 0 : i32
      %eq3A_372 = arith.cmpi eq, %jit3A_370, %eq3A_371 : i32
      %jit3A_373 = arith.constant 1 : i32
      %select_n3A_374 = arith.select %eq3A_372, %jit3A_373, %jit3A_370 : i32
      %rem3A_375 = arith.remsi %add3A_343, %select_n3A_374 : i32
      %ne3A_376 = arith.constant 0 : i32
      %ne3A_377 = arith.cmpi ne, %rem3A_375, %ne3A_376 : i32
      %lt3A_378 = arith.constant 0 : i32
      %lt3A_379 = arith.cmpi slt, %rem3A_375, %lt3A_378 : i32
      %lt3A_380 = arith.constant 0 : i32
      %lt3A_381 = arith.cmpi slt, %select_n3A_374, %lt3A_380 : i32
      %ne3A_382 = arith.xori %lt3A_379, %lt3A_381 : i1
      %and3A_383 = arith.andi %ne3A_382, %ne3A_377 : i1
      %add3A_384 = arith.addi %rem3A_375, %select_n3A_374 : i32
      %select_n3A_385 = arith.select %and3A_383, %add3A_384, %rem3A_375 : i32
      %mul3A_386 = arith.constant 512 : i32
      %mul3A_387 = arith.muli %select_n3A_385, %mul3A_386 : i32
      %dma_wait3A_388 = tpu.memref_slice %arg2[%mul3A_369, %mul3A_387] : memref<200x16384xi32, #tpu.memory_space<hbm>> -> memref<8x512xi32, #tpu.memory_space<hbm>>
      %dma_wait3A_389 = tpu.memref_slice %arg2[%mul3A_369, %mul3A_387] : memref<200x16384xi32, #tpu.memory_space<hbm>> -> memref<8x512xi32, #tpu.memory_space<hbm>>
      tpu.wait_dma2 semaphore(%arg10 : memref<!tpu.dma_semaphore, #tpu.memory_space<semaphore_mem>>) src(%dma_wait3A_389 : memref<8x512xi32, #tpu.memory_space<hbm>>) dst(%arg6 : memref<8x512xi32, #tpu.memory_space<vmem>>)
      %gt3A = arith.constant 0 : i32
      %gt3A_390 = arith.cmpi sgt, %scan3A_338, %gt3A : i32
      %convert_element_type3A = arith.extui %gt3A_390 : i1 to i32
      %cond3A = arith.constant 0 : i32
      %cond3A_391 = arith.cmpi ne, %convert_element_type3A, %cond3A : i32
      scf.if %cond3A_391 {
        %sub3A_572 = arith.constant 2 : i32
        %sub3A_573 = arith.subi %add3A_343, %sub3A_572 : i32
        %jit3A_574 = arith.constant 32 : i32
        %div3A_575 = arith.divsi %sub3A_573, %jit3A_574 : i32
        %sign3A_576 = arith.constant 0 : i32
        %sign3A_577 = arith.cmpi sgt, %sub3A_573, %sign3A_576 : i32
        %sign3A_578 = arith.extui %sign3A_577 : i1 to i32
        %sign3A_579 = arith.constant 0 : i32
        %sign3A_580 = arith.cmpi slt, %sub3A_573, %sign3A_579 : i32
        %sign3A_581 = arith.extui %sign3A_580 : i1 to i32
        %sign3A_582 = arith.subi %sign3A_578, %sign3A_581 : i32
        %sign3A_583 = arith.constant 0 : i32
        %sign3A_584 = arith.cmpi sgt, %jit3A_574, %sign3A_583 : i32
        %sign3A_585 = arith.extui %sign3A_584 : i1 to i32
        %sign3A_586 = arith.constant 0 : i32
        %sign3A_587 = arith.cmpi slt, %jit3A_574, %sign3A_586 : i32
        %sign3A_588 = arith.extui %sign3A_587 : i1 to i32
        %sign3A_589 = arith.subi %sign3A_585, %sign3A_588 : i32
        %ne3A_590 = arith.cmpi ne, %sign3A_582, %sign3A_589 : i32
        %rem3A_591 = arith.remsi %sub3A_573, %jit3A_574 : i32
        %ne3A_592 = arith.constant 0 : i32
        %ne3A_593 = arith.cmpi ne, %rem3A_591, %ne3A_592 : i32
        %and3A_594 = arith.andi %ne3A_590, %ne3A_593 : i1
        %sub3A_595 = arith.constant 1 : i32
        %sub3A_596 = arith.subi %div3A_575, %sub3A_595 : i32
        %select_n3A_597 = arith.select %and3A_594, %sub3A_596, %div3A_575 : i32
        %mul3A_598 = arith.constant 8 : i32
        %mul3A_599 = arith.muli %select_n3A_597, %mul3A_598 : i32
        %jit3A_600 = arith.constant 32 : i32
        %eq3A_601 = arith.constant 0 : i32
        %eq3A_602 = arith.cmpi eq, %jit3A_600, %eq3A_601 : i32
        %jit3A_603 = arith.constant 1 : i32
        %select_n3A_604 = arith.select %eq3A_602, %jit3A_603, %jit3A_600 : i32
        %rem3A_605 = arith.remsi %sub3A_573, %select_n3A_604 : i32
        %ne3A_606 = arith.constant 0 : i32
        %ne3A_607 = arith.cmpi ne, %rem3A_605, %ne3A_606 : i32
        %lt3A_608 = arith.constant 0 : i32
        %lt3A_609 = arith.cmpi slt, %rem3A_605, %lt3A_608 : i32
        %lt3A_610 = arith.constant 0 : i32
        %lt3A_611 = arith.cmpi slt, %select_n3A_604, %lt3A_610 : i32
        %ne3A_612 = arith.xori %lt3A_609, %lt3A_611 : i1
        %and3A_613 = arith.andi %ne3A_612, %ne3A_607 : i1
        %add3A_614 = arith.addi %rem3A_605, %select_n3A_604 : i32
        %select_n3A_615 = arith.select %and3A_613, %add3A_614, %rem3A_605 : i32
        %mul3A_616 = arith.constant 512 : i32
        %mul3A_617 = arith.muli %select_n3A_615, %mul3A_616 : i32
        %dma_wait3A_618 = arith.constant 0 : i32
        %dma_wait3A_619 = tpu.memref_slice %arg4[%dma_wait3A_618, %mul3A_599, %mul3A_617] : memref<10x200x16384xf32, #tpu.memory_space<hbm>> -> memref<10x8x512xf32, #tpu.memory_space<hbm>>
        %dma_wait3A_620 = arith.constant 0 : i32
        %dma_wait3A_621 = tpu.memref_slice %arg4[%dma_wait3A_620, %mul3A_599, %mul3A_617] : memref<10x200x16384xf32, #tpu.memory_space<hbm>> -> memref<10x8x512xf32, #tpu.memory_space<hbm>>
        tpu.wait_dma2 semaphore(%arg12 : memref<!tpu.dma_semaphore, #tpu.memory_space<semaphore_mem>>) src(%arg8 : memref<10x8x512xf32, #tpu.memory_space<vmem>>) dst(%dma_wait3A_621 : memref<10x8x512xf32, #tpu.memory_space<hbm>>)
      } else {
      }
      %parallel_loop3A_392 = arith.constant 0 : i32
      %parallel_loop3A_393 = arith.constant 256 : i32
      %parallel_loop3A_394 = arith.constant 1 : i32
      scf.for %parallel_loop3A_572 = %parallel_loop3A_392 to %parallel_loop3A_393 step %parallel_loop3A_394  : i32 {
        %parallel_loop3A_573 = arith.constant 32 : i32
        %parallel_loop3A_574 = arith.divsi %parallel_loop3A_572, %parallel_loop3A_573 : i32
        %parallel_loop3A_575 = arith.constant 0 : i32
        %parallel_loop3A_576 = arith.cmpi sgt, %parallel_loop3A_572, %parallel_loop3A_575 : i32
        %parallel_loop3A_577 = arith.extui %parallel_loop3A_576 : i1 to i32
        %parallel_loop3A_578 = arith.constant 0 : i32
        %parallel_loop3A_579 = arith.cmpi slt, %parallel_loop3A_572, %parallel_loop3A_578 : i32
        %parallel_loop3A_580 = arith.extui %parallel_loop3A_579 : i1 to i32
        %parallel_loop3A_581 = arith.subi %parallel_loop3A_577, %parallel_loop3A_580 : i32
        %parallel_loop3A_582 = arith.constant 0 : i32
        %parallel_loop3A_583 = arith.cmpi sgt, %parallel_loop3A_573, %parallel_loop3A_582 : i32
        %parallel_loop3A_584 = arith.extui %parallel_loop3A_583 : i1 to i32
        %parallel_loop3A_585 = arith.constant 0 : i32
        %parallel_loop3A_586 = arith.cmpi slt, %parallel_loop3A_573, %parallel_loop3A_585 : i32
        %parallel_loop3A_587 = arith.extui %parallel_loop3A_586 : i1 to i32
        %parallel_loop3A_588 = arith.subi %parallel_loop3A_584, %parallel_loop3A_587 : i32
        %parallel_loop3A_589 = arith.cmpi ne, %parallel_loop3A_581, %parallel_loop3A_588 : i32
        %parallel_loop3A_590 = arith.remsi %parallel_loop3A_572, %parallel_loop3A_573 : i32
        %parallel_loop3A_591 = arith.constant 0 : i32
        %parallel_loop3A_592 = arith.cmpi ne, %parallel_loop3A_590, %parallel_loop3A_591 : i32
        %parallel_loop3A_593 = arith.andi %parallel_loop3A_589, %parallel_loop3A_592 : i1
        %parallel_loop3A_594 = arith.constant 1 : i32
        %parallel_loop3A_595 = arith.subi %parallel_loop3A_574, %parallel_loop3A_594 : i32
        %parallel_loop3A_596 = arith.select %parallel_loop3A_593, %parallel_loop3A_595, %parallel_loop3A_574 : i32
        %parallel_loop3A_597 = arith.constant 32 : i32
        %parallel_loop3A_598 = arith.constant 0 : i32
        %parallel_loop3A_599 = arith.cmpi eq, %parallel_loop3A_597, %parallel_loop3A_598 : i32
        %parallel_loop3A_600 = arith.constant 1 : i32
        %parallel_loop3A_601 = arith.select %parallel_loop3A_599, %parallel_loop3A_600, %parallel_loop3A_597 : i32
        %parallel_loop3A_602 = arith.remsi %parallel_loop3A_572, %parallel_loop3A_601 : i32
        %parallel_loop3A_603 = arith.constant 0 : i32
        %parallel_loop3A_604 = arith.cmpi ne, %parallel_loop3A_602, %parallel_loop3A_603 : i32
        %parallel_loop3A_605 = arith.constant 0 : i32
        %parallel_loop3A_606 = arith.cmpi slt, %parallel_loop3A_602, %parallel_loop3A_605 : i32
        %parallel_loop3A_607 = arith.constant 0 : i32
        %parallel_loop3A_608 = arith.cmpi slt, %parallel_loop3A_601, %parallel_loop3A_607 : i32
        %parallel_loop3A_609 = arith.xori %parallel_loop3A_606, %parallel_loop3A_608 : i1
        %parallel_loop3A_610 = arith.andi %parallel_loop3A_609, %parallel_loop3A_604 : i1
        %parallel_loop3A_611 = arith.addi %parallel_loop3A_602, %parallel_loop3A_601 : i32
        %parallel_loop3A_612 = arith.select %parallel_loop3A_610, %parallel_loop3A_611, %parallel_loop3A_602 : i32
        %parallel_loop3A_613 = arith.constant 16 : i32
        %parallel_loop3A_614 = arith.muli %parallel_loop3A_612, %parallel_loop3A_613 : i32
        %parallel_loop3A_615 = arith.index_cast %parallel_loop3A_596 : i32 to index
        %parallel_loop3A_616 = arith.index_cast %parallel_loop3A_614 : i32 to index
        %parallel_loop3A_617 = tpu.vector_load %arg6[%parallel_loop3A_615, %parallel_loop3A_616] {strides = array<i32>} : memref<8x512xi32, #tpu.memory_space<vmem>>, vector<16xi32>,
        %parallel_loop3A_618 = arith.constant 0 : i32
        %parallel_loop3A_619 = vector.broadcast %parallel_loop3A_618 : i32 to vector<16xi32>
        %parallel_loop3A_620 = arith.addi %parallel_loop3A_617, %parallel_loop3A_619 : vector<16xi32>
        %parallel_loop3A_621 = tpu.vector_load_idx %arg5[%parallel_loop3A_620] : memref<1000xf32, #tpu.memory_space<vmem>>[vector<16xi32>], vector<16xf32>,
        %parallel_loop3A_622 = arith.constant 0 : i32
        %parallel_loop3A_623 = arith.index_cast %parallel_loop3A_622 : i32 to index
        %parallel_loop3A_624 = arith.index_cast %parallel_loop3A_596 : i32 to index
        %parallel_loop3A_625 = arith.index_cast %parallel_loop3A_614 : i32 to index
        %parallel_loop3A_626 = tpu.vector_load %arg8[%parallel_loop3A_623, %parallel_loop3A_624, %parallel_loop3A_625] {strides = array<i32>} : memref<10x8x512xf32, #tpu.memory_space<vmem>>, vector<16xf32>,
        tpu.vector_store %arg8[%parallel_loop3A_623, %parallel_loop3A_624, %parallel_loop3A_625], %parallel_loop3A_621 {strides = array<i32>} : memref<10x8x512xf32, #tpu.memory_space<vmem>>, vector<16xf32>,
        %parallel_loop3A_627 = arith.constant 100 : i32
        %parallel_loop3A_628 = vector.broadcast %parallel_loop3A_627 : i32 to vector<16xi32>
        %parallel_loop3A_629 = arith.addi %parallel_loop3A_617, %parallel_loop3A_628 : vector<16xi32>
        %parallel_loop3A_630 = tpu.vector_load_idx %arg5[%parallel_loop3A_629] : memref<1000xf32, #tpu.memory_space<vmem>>[vector<16xi32>], vector<16xf32>,
        %parallel_loop3A_631 = arith.constant 1 : i32
        %parallel_loop3A_632 = arith.index_cast %parallel_loop3A_631 : i32 to index
        %parallel_loop3A_633 = arith.index_cast %parallel_loop3A_596 : i32 to index
        %parallel_loop3A_634 = arith.index_cast %parallel_loop3A_614 : i32 to index
        %parallel_loop3A_635 = tpu.vector_load %arg8[%parallel_loop3A_632, %parallel_loop3A_633, %parallel_loop3A_634] {strides = array<i32>} : memref<10x8x512xf32, #tpu.memory_space<vmem>>, vector<16xf32>,
        tpu.vector_store %arg8[%parallel_loop3A_632, %parallel_loop3A_633, %parallel_loop3A_634], %parallel_loop3A_630 {strides = array<i32>} : memref<10x8x512xf32, #tpu.memory_space<vmem>>, vector<16xf32>,
        %parallel_loop3A_636 = arith.constant 200 : i32
        %parallel_loop3A_637 = vector.broadcast %parallel_loop3A_636 : i32 to vector<16xi32>
        %parallel_loop3A_638 = arith.addi %parallel_loop3A_617, %parallel_loop3A_637 : vector<16xi32>
        %parallel_loop3A_639 = tpu.vector_load_idx %arg5[%parallel_loop3A_638] : memref<1000xf32, #tpu.memory_space<vmem>>[vector<16xi32>], vector<16xf32>,
        %parallel_loop3A_640 = arith.constant 2 : i32
        %parallel_loop3A_641 = arith.index_cast %parallel_loop3A_640 : i32 to index
        %parallel_loop3A_642 = arith.index_cast %parallel_loop3A_596 : i32 to index
        %parallel_loop3A_643 = arith.index_cast %parallel_loop3A_614 : i32 to index
        %parallel_loop3A_644 = tpu.vector_load %arg8[%parallel_loop3A_641, %parallel_loop3A_642, %parallel_loop3A_643] {strides = array<i32>} : memref<10x8x512xf32, #tpu.memory_space<vmem>>, vector<16xf32>,
        tpu.vector_store %arg8[%parallel_loop3A_641, %parallel_loop3A_642, %parallel_loop3A_643], %parallel_loop3A_639 {strides = array<i32>} : memref<10x8x512xf32, #tpu.memory_space<vmem>>, vector<16xf32>,
        %parallel_loop3A_645 = arith.constant 300 : i32
        %parallel_loop3A_646 = vector.broadcast %parallel_loop3A_645 : i32 to vector<16xi32>
        %parallel_loop3A_647 = arith.addi %parallel_loop3A_617, %parallel_loop3A_646 : vector<16xi32>
        %parallel_loop3A_648 = tpu.vector_load_idx %arg5[%parallel_loop3A_647] : memref<1000xf32, #tpu.memory_space<vmem>>[vector<16xi32>], vector<16xf32>,
        %parallel_loop3A_649 = arith.constant 3 : i32
        %parallel_loop3A_650 = arith.index_cast %parallel_loop3A_649 : i32 to index
        %parallel_loop3A_651 = arith.index_cast %parallel_loop3A_596 : i32 to index
        %parallel_loop3A_652 = arith.index_cast %parallel_loop3A_614 : i32 to index
        %parallel_loop3A_653 = tpu.vector_load %arg8[%parallel_loop3A_650, %parallel_loop3A_651, %parallel_loop3A_652] {strides = array<i32>} : memref<10x8x512xf32, #tpu.memory_space<vmem>>, vector<16xf32>,
        tpu.vector_store %arg8[%parallel_loop3A_650, %parallel_loop3A_651, %parallel_loop3A_652], %parallel_loop3A_648 {strides = array<i32>} : memref<10x8x512xf32, #tpu.memory_space<vmem>>, vector<16xf32>,
        %parallel_loop3A_654 = arith.constant 400 : i32
        %parallel_loop3A_655 = vector.broadcast %parallel_loop3A_654 : i32 to vector<16xi32>
        %parallel_loop3A_656 = arith.addi %parallel_loop3A_617, %parallel_loop3A_655 : vector<16xi32>
        %parallel_loop3A_657 = tpu.vector_load_idx %arg5[%parallel_loop3A_656] : memref<1000xf32, #tpu.memory_space<vmem>>[vector<16xi32>], vector<16xf32>,
        %parallel_loop3A_658 = arith.constant 4 : i32
        %parallel_loop3A_659 = arith.index_cast %parallel_loop3A_658 : i32 to index
        %parallel_loop3A_660 = arith.index_cast %parallel_loop3A_596 : i32 to index
        %parallel_loop3A_661 = arith.index_cast %parallel_loop3A_614 : i32 to index
        %parallel_loop3A_662 = tpu.vector_load %arg8[%parallel_loop3A_659, %parallel_loop3A_660, %parallel_loop3A_661] {strides = array<i32>} : memref<10x8x512xf32, #tpu.memory_space<vmem>>, vector<16xf32>,
        tpu.vector_store %arg8[%parallel_loop3A_659, %parallel_loop3A_660, %parallel_loop3A_661], %parallel_loop3A_657 {strides = array<i32>} : memref<10x8x512xf32, #tpu.memory_space<vmem>>, vector<16xf32>,
        %parallel_loop3A_663 = arith.constant 500 : i32
        %parallel_loop3A_664 = vector.broadcast %parallel_loop3A_663 : i32 to vector<16xi32>
        %parallel_loop3A_665 = arith.addi %parallel_loop3A_617, %parallel_loop3A_664 : vector<16xi32>
        %parallel_loop3A_666 = tpu.vector_load_idx %arg5[%parallel_loop3A_665] : memref<1000xf32, #tpu.memory_space<vmem>>[vector<16xi32>], vector<16xf32>,
        %parallel_loop3A_667 = arith.constant 5 : i32
        %parallel_loop3A_668 = arith.index_cast %parallel_loop3A_667 : i32 to index
        %parallel_loop3A_669 = arith.index_cast %parallel_loop3A_596 : i32 to index
        %parallel_loop3A_670 = arith.index_cast %parallel_loop3A_614 : i32 to index
        %parallel_loop3A_671 = tpu.vector_load %arg8[%parallel_loop3A_668, %parallel_loop3A_669, %parallel_loop3A_670] {strides = array<i32>} : memref<10x8x512xf32, #tpu.memory_space<vmem>>, vector<16xf32>,
        tpu.vector_store %arg8[%parallel_loop3A_668, %parallel_loop3A_669, %parallel_loop3A_670], %parallel_loop3A_666 {strides = array<i32>} : memref<10x8x512xf32, #tpu.memory_space<vmem>>, vector<16xf32>,
        %parallel_loop3A_672 = arith.constant 600 : i32
        %parallel_loop3A_673 = vector.broadcast %parallel_loop3A_672 : i32 to vector<16xi32>
        %parallel_loop3A_674 = arith.addi %parallel_loop3A_617, %parallel_loop3A_673 : vector<16xi32>
        %parallel_loop3A_675 = tpu.vector_load_idx %arg5[%parallel_loop3A_674] : memref<1000xf32, #tpu.memory_space<vmem>>[vector<16xi32>], vector<16xf32>,
        %parallel_loop3A_676 = arith.constant 6 : i32
        %parallel_loop3A_677 = arith.index_cast %parallel_loop3A_676 : i32 to index
        %parallel_loop3A_678 = arith.index_cast %parallel_loop3A_596 : i32 to index
        %parallel_loop3A_679 = arith.index_cast %parallel_loop3A_614 : i32 to index
        %parallel_loop3A_680 = tpu.vector_load %arg8[%parallel_loop3A_677, %parallel_loop3A_678, %parallel_loop3A_679] {strides = array<i32>} : memref<10x8x512xf32, #tpu.memory_space<vmem>>, vector<16xf32>,
        tpu.vector_store %arg8[%parallel_loop3A_677, %parallel_loop3A_678, %parallel_loop3A_679], %parallel_loop3A_675 {strides = array<i32>} : memref<10x8x512xf32, #tpu.memory_space<vmem>>, vector<16xf32>,
        %parallel_loop3A_681 = arith.constant 700 : i32
        %parallel_loop3A_682 = vector.broadcast %parallel_loop3A_681 : i32 to vector<16xi32>
        %parallel_loop3A_683 = arith.addi %parallel_loop3A_617, %parallel_loop3A_682 : vector<16xi32>
        %parallel_loop3A_684 = tpu.vector_load_idx %arg5[%parallel_loop3A_683] : memref<1000xf32, #tpu.memory_space<vmem>>[vector<16xi32>], vector<16xf32>,
        %parallel_loop3A_685 = arith.constant 7 : i32
        %parallel_loop3A_686 = arith.index_cast %parallel_loop3A_685 : i32 to index
        %parallel_loop3A_687 = arith.index_cast %parallel_loop3A_596 : i32 to index
        %parallel_loop3A_688 = arith.index_cast %parallel_loop3A_614 : i32 to index
        %parallel_loop3A_689 = tpu.vector_load %arg8[%parallel_loop3A_686, %parallel_loop3A_687, %parallel_loop3A_688] {strides = array<i32>} : memref<10x8x512xf32, #tpu.memory_space<vmem>>, vector<16xf32>,
        tpu.vector_store %arg8[%parallel_loop3A_686, %parallel_loop3A_687, %parallel_loop3A_688], %parallel_loop3A_684 {strides = array<i32>} : memref<10x8x512xf32, #tpu.memory_space<vmem>>, vector<16xf32>,
        %parallel_loop3A_690 = arith.constant 800 : i32
        %parallel_loop3A_691 = vector.broadcast %parallel_loop3A_690 : i32 to vector<16xi32>
        %parallel_loop3A_692 = arith.addi %parallel_loop3A_617, %parallel_loop3A_691 : vector<16xi32>
        %parallel_loop3A_693 = tpu.vector_load_idx %arg5[%parallel_loop3A_692] : memref<1000xf32, #tpu.memory_space<vmem>>[vector<16xi32>], vector<16xf32>,
        %parallel_loop3A_694 = arith.constant 8 : i32
        %parallel_loop3A_695 = arith.index_cast %parallel_loop3A_694 : i32 to index
        %parallel_loop3A_696 = arith.index_cast %parallel_loop3A_596 : i32 to index
        %parallel_loop3A_697 = arith.index_cast %parallel_loop3A_614 : i32 to index
        %parallel_loop3A_698 = tpu.vector_load %arg8[%parallel_loop3A_695, %parallel_loop3A_696, %parallel_loop3A_697] {strides = array<i32>} : memref<10x8x512xf32, #tpu.memory_space<vmem>>, vector<16xf32>,
        tpu.vector_store %arg8[%parallel_loop3A_695, %parallel_loop3A_696, %parallel_loop3A_697], %parallel_loop3A_693 {strides = array<i32>} : memref<10x8x512xf32, #tpu.memory_space<vmem>>, vector<16xf32>,
        %parallel_loop3A_699 = arith.constant 900 : i32
        %parallel_loop3A_700 = vector.broadcast %parallel_loop3A_699 : i32 to vector<16xi32>
        %parallel_loop3A_701 = arith.addi %parallel_loop3A_617, %parallel_loop3A_700 : vector<16xi32>
        %parallel_loop3A_702 = tpu.vector_load_idx %arg5[%parallel_loop3A_701] : memref<1000xf32, #tpu.memory_space<vmem>>[vector<16xi32>], vector<16xf32>,
        %parallel_loop3A_703 = arith.constant 9 : i32
        %parallel_loop3A_704 = arith.index_cast %parallel_loop3A_703 : i32 to index
        %parallel_loop3A_705 = arith.index_cast %parallel_loop3A_596 : i32 to index
        %parallel_loop3A_706 = arith.index_cast %parallel_loop3A_614 : i32 to index
        %parallel_loop3A_707 = tpu.vector_load %arg8[%parallel_loop3A_704, %parallel_loop3A_705, %parallel_loop3A_706] {strides = array<i32>} : memref<10x8x512xf32, #tpu.memory_space<vmem>>, vector<16xf32>,
        tpu.vector_store %arg8[%parallel_loop3A_704, %parallel_loop3A_705, %parallel_loop3A_706], %parallel_loop3A_702 {strides = array<i32>} : memref<10x8x512xf32, #tpu.memory_space<vmem>>, vector<16xf32>,
      } {sc.loop_unroll_factor = 8 : i64, sc.parallel_access}
      %jit3A_395 = arith.constant 32 : i32
      %div3A_396 = arith.divsi %add3A_343, %jit3A_395 : i32
      %sign3A_397 = arith.constant 0 : i32
      %sign3A_398 = arith.cmpi sgt, %add3A_343, %sign3A_397 : i32
      %sign3A_399 = arith.extui %sign3A_398 : i1 to i32
      %sign3A_400 = arith.constant 0 : i32
      %sign3A_401 = arith.cmpi slt, %add3A_343, %sign3A_400 : i32
      %sign3A_402 = arith.extui %sign3A_401 : i1 to i32
      %sign3A_403 = arith.subi %sign3A_399, %sign3A_402 : i32
      %sign3A_404 = arith.constant 0 : i32
      %sign3A_405 = arith.cmpi sgt, %jit3A_395, %sign3A_404 : i32
      %sign3A_406 = arith.extui %sign3A_405 : i1 to i32
      %sign3A_407 = arith.constant 0 : i32
      %sign3A_408 = arith.cmpi slt, %jit3A_395, %sign3A_407 : i32
      %sign3A_409 = arith.extui %sign3A_408 : i1 to i32
      %sign3A_410 = arith.subi %sign3A_406, %sign3A_409 : i32
      %ne3A_411 = arith.cmpi ne, %sign3A_403, %sign3A_410 : i32
      %rem3A_412 = arith.remsi %add3A_343, %jit3A_395 : i32
      %ne3A_413 = arith.constant 0 : i32
      %ne3A_414 = arith.cmpi ne, %rem3A_412, %ne3A_413 : i32
      %and3A_415 = arith.andi %ne3A_411, %ne3A_414 : i1
      %sub3A_416 = arith.constant 1 : i32
      %sub3A_417 = arith.subi %div3A_396, %sub3A_416 : i32
      %select_n3A_418 = arith.select %and3A_415, %sub3A_417, %div3A_396 : i32
      %mul3A_419 = arith.constant 8 : i32
      %mul3A_420 = arith.muli %select_n3A_418, %mul3A_419 : i32
      %jit3A_421 = arith.constant 32 : i32
      %eq3A_422 = arith.constant 0 : i32
      %eq3A_423 = arith.cmpi eq, %jit3A_421, %eq3A_422 : i32
      %jit3A_424 = arith.constant 1 : i32
      %select_n3A_425 = arith.select %eq3A_423, %jit3A_424, %jit3A_421 : i32
      %rem3A_426 = arith.remsi %add3A_343, %select_n3A_425 : i32
      %ne3A_427 = arith.constant 0 : i32
      %ne3A_428 = arith.cmpi ne, %rem3A_426, %ne3A_427 : i32
      %lt3A_429 = arith.constant 0 : i32
      %lt3A_430 = arith.cmpi slt, %rem3A_426, %lt3A_429 : i32
      %lt3A_431 = arith.constant 0 : i32
      %lt3A_432 = arith.cmpi slt, %select_n3A_425, %lt3A_431 : i32
      %ne3A_433 = arith.xori %lt3A_430, %lt3A_432 : i1
      %and3A_434 = arith.andi %ne3A_433, %ne3A_428 : i1
      %add3A_435 = arith.addi %rem3A_426, %select_n3A_425 : i32
      %select_n3A_436 = arith.select %and3A_434, %add3A_435, %rem3A_426 : i32
      %mul3A_437 = arith.constant 512 : i32
      %mul3A_438 = arith.muli %select_n3A_436, %mul3A_437 : i32
      %dma_start3A_439 = arith.constant 0 : i32
      %dma_start3A_440 = tpu.memref_slice %arg4[%dma_start3A_439, %mul3A_420, %mul3A_438] : memref<10x200x16384xf32, #tpu.memory_space<hbm>> -> memref<10x8x512xf32, #tpu.memory_space<hbm>>
      %dma_start3A_441 = arith.constant 0 : i32
      %dma_start3A_442 = tpu.memref_slice %arg4[%dma_start3A_441, %mul3A_420, %mul3A_438] : memref<10x200x16384xf32, #tpu.memory_space<hbm>> -> memref<10x8x512xf32, #tpu.memory_space<hbm>>
      tpu.enqueue_dma source(%arg8 : memref<10x8x512xf32, #tpu.memory_space<vmem>>) target(%dma_start3A_442 : memref<10x8x512xf32, #tpu.memory_space<hbm>>) target_semaphore(%arg12 : memref<!tpu.dma_semaphore, #tpu.memory_space<semaphore_mem>>)
      %mul3A_443 = arith.constant 2 : i32
      %mul3A_444 = arith.muli %mul3A_443, %scan3A_338 : i32
      %add3A_445 = arith.constant 0 : i32
      %add3A_446 = arith.addi %mul3A_444, %add3A_445 : i32
      %add3A_447 = arith.constant 2 : i32
      %add3A_448 = arith.addi %add3A_446, %add3A_447 : i32
      %lt3A_449 = arith.constant 25 : i32
      %lt3A_450 = arith.cmpi slt, %add3A_448, %lt3A_449 : i32
      %convert_element_type3A_451 = arith.extui %lt3A_450 : i1 to i32
      %cond3A_452 = arith.constant 0 : i32
      %cond3A_453 = arith.cmpi ne, %convert_element_type3A_451, %cond3A_452 : i32
      scf.if %cond3A_453 {
        %add3A_572 = arith.constant 2 : i32
        %add3A_573 = arith.addi %add3A_343, %add3A_572 : i32
        %jit3A_574 = arith.constant 32 : i32
        %div3A_575 = arith.divsi %add3A_573, %jit3A_574 : i32
        %sign3A_576 = arith.constant 0 : i32
        %sign3A_577 = arith.cmpi sgt, %add3A_573, %sign3A_576 : i32
        %sign3A_578 = arith.extui %sign3A_577 : i1 to i32
        %sign3A_579 = arith.constant 0 : i32
        %sign3A_580 = arith.cmpi slt, %add3A_573, %sign3A_579 : i32
        %sign3A_581 = arith.extui %sign3A_580 : i1 to i32
        %sign3A_582 = arith.subi %sign3A_578, %sign3A_581 : i32
        %sign3A_583 = arith.constant 0 : i32
        %sign3A_584 = arith.cmpi sgt, %jit3A_574, %sign3A_583 : i32
        %sign3A_585 = arith.extui %sign3A_584 : i1 to i32
        %sign3A_586 = arith.constant 0 : i32
        %sign3A_587 = arith.cmpi slt, %jit3A_574, %sign3A_586 : i32
        %sign3A_588 = arith.extui %sign3A_587 : i1 to i32
        %sign3A_589 = arith.subi %sign3A_585, %sign3A_588 : i32
        %ne3A_590 = arith.cmpi ne, %sign3A_582, %sign3A_589 : i32
        %rem3A_591 = arith.remsi %add3A_573, %jit3A_574 : i32
        %ne3A_592 = arith.constant 0 : i32
        %ne3A_593 = arith.cmpi ne, %rem3A_591, %ne3A_592 : i32
        %and3A_594 = arith.andi %ne3A_590, %ne3A_593 : i1
        %sub3A_595 = arith.constant 1 : i32
        %sub3A_596 = arith.subi %div3A_575, %sub3A_595 : i32
        %select_n3A_597 = arith.select %and3A_594, %sub3A_596, %div3A_575 : i32
        %mul3A_598 = arith.constant 8 : i32
        %mul3A_599 = arith.muli %select_n3A_597, %mul3A_598 : i32
        %jit3A_600 = arith.constant 32 : i32
        %eq3A_601 = arith.constant 0 : i32
        %eq3A_602 = arith.cmpi eq, %jit3A_600, %eq3A_601 : i32
        %jit3A_603 = arith.constant 1 : i32
        %select_n3A_604 = arith.select %eq3A_602, %jit3A_603, %jit3A_600 : i32
        %rem3A_605 = arith.remsi %add3A_573, %select_n3A_604 : i32
        %ne3A_606 = arith.constant 0 : i32
        %ne3A_607 = arith.cmpi ne, %rem3A_605, %ne3A_606 : i32
        %lt3A_608 = arith.constant 0 : i32
        %lt3A_609 = arith.cmpi slt, %rem3A_605, %lt3A_608 : i32
        %lt3A_610 = arith.constant 0 : i32
        %lt3A_611 = arith.cmpi slt, %select_n3A_604, %lt3A_610 : i32
        %ne3A_612 = arith.xori %lt3A_609, %lt3A_611 : i1
        %and3A_613 = arith.andi %ne3A_612, %ne3A_607 : i1
        %add3A_614 = arith.addi %rem3A_605, %select_n3A_604 : i32
        %select_n3A_615 = arith.select %and3A_613, %add3A_614, %rem3A_605 : i32
        %mul3A_616 = arith.constant 512 : i32
        %mul3A_617 = arith.muli %select_n3A_615, %mul3A_616 : i32
        %dma_start3A_618 = tpu.memref_slice %arg2[%mul3A_599, %mul3A_617] : memref<200x16384xi32, #tpu.memory_space<hbm>> -> memref<8x512xi32, #tpu.memory_space<hbm>>
        %dma_start3A_619 = tpu.memref_slice %arg2[%mul3A_599, %mul3A_617] : memref<200x16384xi32, #tpu.memory_space<hbm>> -> memref<8x512xi32, #tpu.memory_space<hbm>>
        tpu.enqueue_dma source(%dma_start3A_619 : memref<8x512xi32, #tpu.memory_space<hbm>>) target(%arg6 : memref<8x512xi32, #tpu.memory_space<vmem>>) target_semaphore(%arg10 : memref<!tpu.dma_semaphore, #tpu.memory_space<semaphore_mem>>)
      } else {
      }
      %mul3A_454 = arith.constant 2 : i32
      %mul3A_455 = arith.muli %mul3A_454, %scan3A_338 : i32
      %add3A_456 = arith.addi %mul3A_2, %mul3A_455 : i32
      %add3A_457 = arith.constant 1 : i32
      %add3A_458 = arith.addi %add3A_456, %add3A_457 : i32
      %jit3A_459 = arith.constant 32 : i32
      %div3A_460 = arith.divsi %add3A_458, %jit3A_459 : i32
      %sign3A_461 = arith.constant 0 : i32
      %sign3A_462 = arith.cmpi sgt, %add3A_458, %sign3A_461 : i32
      %sign3A_463 = arith.extui %sign3A_462 : i1 to i32
      %sign3A_464 = arith.constant 0 : i32
      %sign3A_465 = arith.cmpi slt, %add3A_458, %sign3A_464 : i32
      %sign3A_466 = arith.extui %sign3A_465 : i1 to i32
      %sign3A_467 = arith.subi %sign3A_463, %sign3A_466 : i32
      %sign3A_468 = arith.constant 0 : i32
      %sign3A_469 = arith.cmpi sgt, %jit3A_459, %sign3A_468 : i32
      %sign3A_470 = arith.extui %sign3A_469 : i1 to i32
      %sign3A_471 = arith.constant 0 : i32
      %sign3A_472 = arith.cmpi slt, %jit3A_459, %sign3A_471 : i32
      %sign3A_473 = arith.extui %sign3A_472 : i1 to i32
      %sign3A_474 = arith.subi %sign3A_470, %sign3A_473 : i32
      %ne3A_475 = arith.cmpi ne, %sign3A_467, %sign3A_474 : i32
      %rem3A_476 = arith.remsi %add3A_458, %jit3A_459 : i32
      %ne3A_477 = arith.constant 0 : i32
      %ne3A_478 = arith.cmpi ne, %rem3A_476, %ne3A_477 : i32
      %and3A_479 = arith.andi %ne3A_475, %ne3A_478 : i1
      %sub3A_480 = arith.constant 1 : i32
      %sub3A_481 = arith.subi %div3A_460, %sub3A_480 : i32
      %select_n3A_482 = arith.select %and3A_479, %sub3A_481, %div3A_460 : i32
      %mul3A_483 = arith.constant 8 : i32
      %mul3A_484 = arith.muli %select_n3A_482, %mul3A_483 : i32
      %jit3A_485 = arith.constant 32 : i32
      %eq3A_486 = arith.constant 0 : i32
      %eq3A_487 = arith.cmpi eq, %jit3A_485, %eq3A_486 : i32
      %jit3A_488 = arith.constant 1 : i32
      %select_n3A_489 = arith.select %eq3A_487, %jit3A_488, %jit3A_485 : i32
      %rem3A_490 = arith.remsi %add3A_458, %select_n3A_489 : i32
      %ne3A_491 = arith.constant 0 : i32
      %ne3A_492 = arith.cmpi ne, %rem3A_490, %ne3A_491 : i32
      %lt3A_493 = arith.constant 0 : i32
      %lt3A_494 = arith.cmpi slt, %rem3A_490, %lt3A_493 : i32
      %lt3A_495 = arith.constant 0 : i32
      %lt3A_496 = arith.cmpi slt, %select_n3A_489, %lt3A_495 : i32
      %ne3A_497 = arith.xori %lt3A_494, %lt3A_496 : i1
      %and3A_498 = arith.andi %ne3A_497, %ne3A_492 : i1
      %add3A_499 = arith.addi %rem3A_490, %select_n3A_489 : i32
      %select_n3A_500 = arith.select %and3A_498, %add3A_499, %rem3A_490 : i32
      %mul3A_501 = arith.constant 512 : i32
      %mul3A_502 = arith.muli %select_n3A_500, %mul3A_501 : i32
      %dma_wait3A_503 = tpu.memref_slice %arg2[%mul3A_484, %mul3A_502] : memref<200x16384xi32, #tpu.memory_space<hbm>> -> memref<8x512xi32, #tpu.memory_space<hbm>>
      %dma_wait3A_504 = tpu.memref_slice %arg2[%mul3A_484, %mul3A_502] : memref<200x16384xi32, #tpu.memory_space<hbm>> -> memref<8x512xi32, #tpu.memory_space<hbm>>
      tpu.wait_dma2 semaphore(%arg11 : memref<!tpu.dma_semaphore, #tpu.memory_space<semaphore_mem>>) src(%dma_wait3A_504 : memref<8x512xi32, #tpu.memory_space<hbm>>) dst(%arg7 : memref<8x512xi32, #tpu.memory_space<vmem>>)
      %gt3A_505 = arith.constant 0 : i32
      %gt3A_506 = arith.cmpi sgt, %scan3A_338, %gt3A_505 : i32
      %convert_element_type3A_507 = arith.extui %gt3A_506 : i1 to i32
      %cond3A_508 = arith.constant 0 : i32
      %cond3A_509 = arith.cmpi ne, %convert_element_type3A_507, %cond3A_508 : i32
      scf.if %cond3A_509 {
        %sub3A_572 = arith.constant 2 : i32
        %sub3A_573 = arith.subi %add3A_458, %sub3A_572 : i32
        %jit3A_574 = arith.constant 32 : i32
        %div3A_575 = arith.divsi %sub3A_573, %jit3A_574 : i32
        %sign3A_576 = arith.constant 0 : i32
        %sign3A_577 = arith.cmpi sgt, %sub3A_573, %sign3A_576 : i32
        %sign3A_578 = arith.extui %sign3A_577 : i1 to i32
        %sign3A_579 = arith.constant 0 : i32
        %sign3A_580 = arith.cmpi slt, %sub3A_573, %sign3A_579 : i32
        %sign3A_581 = arith.extui %sign3A_580 : i1 to i32
        %sign3A_582 = arith.subi %sign3A_578, %sign3A_581 : i32
        %sign3A_583 = arith.constant 0 : i32
        %sign3A_584 = arith.cmpi sgt, %jit3A_574, %sign3A_583 : i32
        %sign3A_585 = arith.extui %sign3A_584 : i1 to i32
        %sign3A_586 = arith.constant 0 : i32
        %sign3A_587 = arith.cmpi slt, %jit3A_574, %sign3A_586 : i32
        %sign3A_588 = arith.extui %sign3A_587 : i1 to i32
        %sign3A_589 = arith.subi %sign3A_585, %sign3A_588 : i32
        %ne3A_590 = arith.cmpi ne, %sign3A_582, %sign3A_589 : i32
        %rem3A_591 = arith.remsi %sub3A_573, %jit3A_574 : i32
        %ne3A_592 = arith.constant 0 : i32
        %ne3A_593 = arith.cmpi ne, %rem3A_591, %ne3A_592 : i32
        %and3A_594 = arith.andi %ne3A_590, %ne3A_593 : i1
        %sub3A_595 = arith.constant 1 : i32
        %sub3A_596 = arith.subi %div3A_575, %sub3A_595 : i32
        %select_n3A_597 = arith.select %and3A_594, %sub3A_596, %div3A_575 : i32
        %mul3A_598 = arith.constant 8 : i32
        %mul3A_599 = arith.muli %select_n3A_597, %mul3A_598 : i32
        %jit3A_600 = arith.constant 32 : i32
        %eq3A_601 = arith.constant 0 : i32
        %eq3A_602 = arith.cmpi eq, %jit3A_600, %eq3A_601 : i32
        %jit3A_603 = arith.constant 1 : i32
        %select_n3A_604 = arith.select %eq3A_602, %jit3A_603, %jit3A_600 : i32
        %rem3A_605 = arith.remsi %sub3A_573, %select_n3A_604 : i32
        %ne3A_606 = arith.constant 0 : i32
        %ne3A_607 = arith.cmpi ne, %rem3A_605, %ne3A_606 : i32
        %lt3A_608 = arith.constant 0 : i32
        %lt3A_609 = arith.cmpi slt, %rem3A_605, %lt3A_608 : i32
        %lt3A_610 = arith.constant 0 : i32
        %lt3A_611 = arith.cmpi slt, %select_n3A_604, %lt3A_610 : i32
        %ne3A_612 = arith.xori %lt3A_609, %lt3A_611 : i1
        %and3A_613 = arith.andi %ne3A_612, %ne3A_607 : i1
        %add3A_614 = arith.addi %rem3A_605, %select_n3A_604 : i32
        %select_n3A_615 = arith.select %and3A_613, %add3A_614, %rem3A_605 : i32
        %mul3A_616 = arith.constant 512 : i32
        %mul3A_617 = arith.muli %select_n3A_615, %mul3A_616 : i32
        %dma_wait3A_618 = arith.constant 0 : i32
        %dma_wait3A_619 = tpu.memref_slice %arg4[%dma_wait3A_618, %mul3A_599, %mul3A_617] : memref<10x200x16384xf32, #tpu.memory_space<hbm>> -> memref<10x8x512xf32, #tpu.memory_space<hbm>>
        %dma_wait3A_620 = arith.constant 0 : i32
        %dma_wait3A_621 = tpu.memref_slice %arg4[%dma_wait3A_620, %mul3A_599, %mul3A_617] : memref<10x200x16384xf32, #tpu.memory_space<hbm>> -> memref<10x8x512xf32, #tpu.memory_space<hbm>>
        tpu.wait_dma2 semaphore(%arg13 : memref<!tpu.dma_semaphore, #tpu.memory_space<semaphore_mem>>) src(%arg9 : memref<10x8x512xf32, #tpu.memory_space<vmem>>) dst(%dma_wait3A_621 : memref<10x8x512xf32, #tpu.memory_space<hbm>>)
      } else {
      }
      %parallel_loop3A_510 = arith.constant 0 : i32
      %parallel_loop3A_511 = arith.constant 256 : i32
      %parallel_loop3A_512 = arith.constant 1 : i32
      scf.for %parallel_loop3A_572 = %parallel_loop3A_510 to %parallel_loop3A_511 step %parallel_loop3A_512  : i32 {
        %parallel_loop3A_573 = arith.constant 32 : i32
        %parallel_loop3A_574 = arith.divsi %parallel_loop3A_572, %parallel_loop3A_573 : i32
        %parallel_loop3A_575 = arith.constant 0 : i32
        %parallel_loop3A_576 = arith.cmpi sgt, %parallel_loop3A_572, %parallel_loop3A_575 : i32
        %parallel_loop3A_577 = arith.extui %parallel_loop3A_576 : i1 to i32
        %parallel_loop3A_578 = arith.constant 0 : i32
        %parallel_loop3A_579 = arith.cmpi slt, %parallel_loop3A_572, %parallel_loop3A_578 : i32
        %parallel_loop3A_580 = arith.extui %parallel_loop3A_579 : i1 to i32
        %parallel_loop3A_581 = arith.subi %parallel_loop3A_577, %parallel_loop3A_580 : i32
        %parallel_loop3A_582 = arith.constant 0 : i32
        %parallel_loop3A_583 = arith.cmpi sgt, %parallel_loop3A_573, %parallel_loop3A_582 : i32
        %parallel_loop3A_584 = arith.extui %parallel_loop3A_583 : i1 to i32
        %parallel_loop3A_585 = arith.constant 0 : i32
        %parallel_loop3A_586 = arith.cmpi slt, %parallel_loop3A_573, %parallel_loop3A_585 : i32
        %parallel_loop3A_587 = arith.extui %parallel_loop3A_586 : i1 to i32
        %parallel_loop3A_588 = arith.subi %parallel_loop3A_584, %parallel_loop3A_587 : i32
        %parallel_loop3A_589 = arith.cmpi ne, %parallel_loop3A_581, %parallel_loop3A_588 : i32
        %parallel_loop3A_590 = arith.remsi %parallel_loop3A_572, %parallel_loop3A_573 : i32
        %parallel_loop3A_591 = arith.constant 0 : i32
        %parallel_loop3A_592 = arith.cmpi ne, %parallel_loop3A_590, %parallel_loop3A_591 : i32
        %parallel_loop3A_593 = arith.andi %parallel_loop3A_589, %parallel_loop3A_592 : i1
        %parallel_loop3A_594 = arith.constant 1 : i32
        %parallel_loop3A_595 = arith.subi %parallel_loop3A_574, %parallel_loop3A_594 : i32
        %parallel_loop3A_596 = arith.select %parallel_loop3A_593, %parallel_loop3A_595, %parallel_loop3A_574 : i32
        %parallel_loop3A_597 = arith.constant 32 : i32
        %parallel_loop3A_598 = arith.constant 0 : i32
        %parallel_loop3A_599 = arith.cmpi eq, %parallel_loop3A_597, %parallel_loop3A_598 : i32
        %parallel_loop3A_600 = arith.constant 1 : i32
        %parallel_loop3A_601 = arith.select %parallel_loop3A_599, %parallel_loop3A_600, %parallel_loop3A_597 : i32
        %parallel_loop3A_602 = arith.remsi %parallel_loop3A_572, %parallel_loop3A_601 : i32
        %parallel_loop3A_603 = arith.constant 0 : i32
        %parallel_loop3A_604 = arith.cmpi ne, %parallel_loop3A_602, %parallel_loop3A_603 : i32
        %parallel_loop3A_605 = arith.constant 0 : i32
        %parallel_loop3A_606 = arith.cmpi slt, %parallel_loop3A_602, %parallel_loop3A_605 : i32
        %parallel_loop3A_607 = arith.constant 0 : i32
        %parallel_loop3A_608 = arith.cmpi slt, %parallel_loop3A_601, %parallel_loop3A_607 : i32
        %parallel_loop3A_609 = arith.xori %parallel_loop3A_606, %parallel_loop3A_608 : i1
        %parallel_loop3A_610 = arith.andi %parallel_loop3A_609, %parallel_loop3A_604 : i1
        %parallel_loop3A_611 = arith.addi %parallel_loop3A_602, %parallel_loop3A_601 : i32
        %parallel_loop3A_612 = arith.select %parallel_loop3A_610, %parallel_loop3A_611, %parallel_loop3A_602 : i32
        %parallel_loop3A_613 = arith.constant 16 : i32
        %parallel_loop3A_614 = arith.muli %parallel_loop3A_612, %parallel_loop3A_613 : i32
        %parallel_loop3A_615 = arith.index_cast %parallel_loop3A_596 : i32 to index
        %parallel_loop3A_616 = arith.index_cast %parallel_loop3A_614 : i32 to index
        %parallel_loop3A_617 = tpu.vector_load %arg7[%parallel_loop3A_615, %parallel_loop3A_616] {strides = array<i32>} : memref<8x512xi32, #tpu.memory_space<vmem>>, vector<16xi32>,
        %parallel_loop3A_618 = arith.constant 0 : i32
        %parallel_loop3A_619 = vector.broadcast %parallel_loop3A_618 : i32 to vector<16xi32>
        %parallel_loop3A_620 = arith.addi %parallel_loop3A_617, %parallel_loop3A_619 : vector<16xi32>
        %parallel_loop3A_621 = tpu.vector_load_idx %arg5[%parallel_loop3A_620] : memref<1000xf32, #tpu.memory_space<vmem>>[vector<16xi32>], vector<16xf32>,
        %parallel_loop3A_622 = arith.constant 0 : i32
        %parallel_loop3A_623 = arith.index_cast %parallel_loop3A_622 : i32 to index
        %parallel_loop3A_624 = arith.index_cast %parallel_loop3A_596 : i32 to index
        %parallel_loop3A_625 = arith.index_cast %parallel_loop3A_614 : i32 to index
        %parallel_loop3A_626 = tpu.vector_load %arg9[%parallel_loop3A_623, %parallel_loop3A_624, %parallel_loop3A_625] {strides = array<i32>} : memref<10x8x512xf32, #tpu.memory_space<vmem>>, vector<16xf32>,
        tpu.vector_store %arg9[%parallel_loop3A_623, %parallel_loop3A_624, %parallel_loop3A_625], %parallel_loop3A_621 {strides = array<i32>} : memref<10x8x512xf32, #tpu.memory_space<vmem>>, vector<16xf32>,
        %parallel_loop3A_627 = arith.constant 100 : i32
        %parallel_loop3A_628 = vector.broadcast %parallel_loop3A_627 : i32 to vector<16xi32>
        %parallel_loop3A_629 = arith.addi %parallel_loop3A_617, %parallel_loop3A_628 : vector<16xi32>
        %parallel_loop3A_630 = tpu.vector_load_idx %arg5[%parallel_loop3A_629] : memref<1000xf32, #tpu.memory_space<vmem>>[vector<16xi32>], vector<16xf32>,
        %parallel_loop3A_631 = arith.constant 1 : i32
        %parallel_loop3A_632 = arith.index_cast %parallel_loop3A_631 : i32 to index
        %parallel_loop3A_633 = arith.index_cast %parallel_loop3A_596 : i32 to index
        %parallel_loop3A_634 = arith.index_cast %parallel_loop3A_614 : i32 to index
        %parallel_loop3A_635 = tpu.vector_load %arg9[%parallel_loop3A_632, %parallel_loop3A_633, %parallel_loop3A_634] {strides = array<i32>} : memref<10x8x512xf32, #tpu.memory_space<vmem>>, vector<16xf32>,
        tpu.vector_store %arg9[%parallel_loop3A_632, %parallel_loop3A_633, %parallel_loop3A_634], %parallel_loop3A_630 {strides = array<i32>} : memref<10x8x512xf32, #tpu.memory_space<vmem>>, vector<16xf32>,
        %parallel_loop3A_636 = arith.constant 200 : i32
        %parallel_loop3A_637 = vector.broadcast %parallel_loop3A_636 : i32 to vector<16xi32>
        %parallel_loop3A_638 = arith.addi %parallel_loop3A_617, %parallel_loop3A_637 : vector<16xi32>
        %parallel_loop3A_639 = tpu.vector_load_idx %arg5[%parallel_loop3A_638] : memref<1000xf32, #tpu.memory_space<vmem>>[vector<16xi32>], vector<16xf32>,
        %parallel_loop3A_640 = arith.constant 2 : i32
        %parallel_loop3A_641 = arith.index_cast %parallel_loop3A_640 : i32 to index
        %parallel_loop3A_642 = arith.index_cast %parallel_loop3A_596 : i32 to index
        %parallel_loop3A_643 = arith.index_cast %parallel_loop3A_614 : i32 to index
        %parallel_loop3A_644 = tpu.vector_load %arg9[%parallel_loop3A_641, %parallel_loop3A_642, %parallel_loop3A_643] {strides = array<i32>} : memref<10x8x512xf32, #tpu.memory_space<vmem>>, vector<16xf32>,
        tpu.vector_store %arg9[%parallel_loop3A_641, %parallel_loop3A_642, %parallel_loop3A_643], %parallel_loop3A_639 {strides = array<i32>} : memref<10x8x512xf32, #tpu.memory_space<vmem>>, vector<16xf32>,
        %parallel_loop3A_645 = arith.constant 300 : i32
        %parallel_loop3A_646 = vector.broadcast %parallel_loop3A_645 : i32 to vector<16xi32>
        %parallel_loop3A_647 = arith.addi %parallel_loop3A_617, %parallel_loop3A_646 : vector<16xi32>
        %parallel_loop3A_648 = tpu.vector_load_idx %arg5[%parallel_loop3A_647] : memref<1000xf32, #tpu.memory_space<vmem>>[vector<16xi32>], vector<16xf32>,
        %parallel_loop3A_649 = arith.constant 3 : i32
        %parallel_loop3A_650 = arith.index_cast %parallel_loop3A_649 : i32 to index
        %parallel_loop3A_651 = arith.index_cast %parallel_loop3A_596 : i32 to index
        %parallel_loop3A_652 = arith.index_cast %parallel_loop3A_614 : i32 to index
        %parallel_loop3A_653 = tpu.vector_load %arg9[%parallel_loop3A_650, %parallel_loop3A_651, %parallel_loop3A_652] {strides = array<i32>} : memref<10x8x512xf32, #tpu.memory_space<vmem>>, vector<16xf32>,
        tpu.vector_store %arg9[%parallel_loop3A_650, %parallel_loop3A_651, %parallel_loop3A_652], %parallel_loop3A_648 {strides = array<i32>} : memref<10x8x512xf32, #tpu.memory_space<vmem>>, vector<16xf32>,
        %parallel_loop3A_654 = arith.constant 400 : i32
        %parallel_loop3A_655 = vector.broadcast %parallel_loop3A_654 : i32 to vector<16xi32>
        %parallel_loop3A_656 = arith.addi %parallel_loop3A_617, %parallel_loop3A_655 : vector<16xi32>
        %parallel_loop3A_657 = tpu.vector_load_idx %arg5[%parallel_loop3A_656] : memref<1000xf32, #tpu.memory_space<vmem>>[vector<16xi32>], vector<16xf32>,
        %parallel_loop3A_658 = arith.constant 4 : i32
        %parallel_loop3A_659 = arith.index_cast %parallel_loop3A_658 : i32 to index
        %parallel_loop3A_660 = arith.index_cast %parallel_loop3A_596 : i32 to index
        %parallel_loop3A_661 = arith.index_cast %parallel_loop3A_614 : i32 to index
        %parallel_loop3A_662 = tpu.vector_load %arg9[%parallel_loop3A_659, %parallel_loop3A_660, %parallel_loop3A_661] {strides = array<i32>} : memref<10x8x512xf32, #tpu.memory_space<vmem>>, vector<16xf32>,
        tpu.vector_store %arg9[%parallel_loop3A_659, %parallel_loop3A_660, %parallel_loop3A_661], %parallel_loop3A_657 {strides = array<i32>} : memref<10x8x512xf32, #tpu.memory_space<vmem>>, vector<16xf32>,
        %parallel_loop3A_663 = arith.constant 500 : i32
        %parallel_loop3A_664 = vector.broadcast %parallel_loop3A_663 : i32 to vector<16xi32>
        %parallel_loop3A_665 = arith.addi %parallel_loop3A_617, %parallel_loop3A_664 : vector<16xi32>
        %parallel_loop3A_666 = tpu.vector_load_idx %arg5[%parallel_loop3A_665] : memref<1000xf32, #tpu.memory_space<vmem>>[vector<16xi32>], vector<16xf32>,
        %parallel_loop3A_667 = arith.constant 5 : i32
        %parallel_loop3A_668 = arith.index_cast %parallel_loop3A_667 : i32 to index
        %parallel_loop3A_669 = arith.index_cast %parallel_loop3A_596 : i32 to index
        %parallel_loop3A_670 = arith.index_cast %parallel_loop3A_614 : i32 to index
        %parallel_loop3A_671 = tpu.vector_load %arg9[%parallel_loop3A_668, %parallel_loop3A_669, %parallel_loop3A_670] {strides = array<i32>} : memref<10x8x512xf32, #tpu.memory_space<vmem>>, vector<16xf32>,
        tpu.vector_store %arg9[%parallel_loop3A_668, %parallel_loop3A_669, %parallel_loop3A_670], %parallel_loop3A_666 {strides = array<i32>} : memref<10x8x512xf32, #tpu.memory_space<vmem>>, vector<16xf32>,
        %parallel_loop3A_672 = arith.constant 600 : i32
        %parallel_loop3A_673 = vector.broadcast %parallel_loop3A_672 : i32 to vector<16xi32>
        %parallel_loop3A_674 = arith.addi %parallel_loop3A_617, %parallel_loop3A_673 : vector<16xi32>
        %parallel_loop3A_675 = tpu.vector_load_idx %arg5[%parallel_loop3A_674] : memref<1000xf32, #tpu.memory_space<vmem>>[vector<16xi32>], vector<16xf32>,
        %parallel_loop3A_676 = arith.constant 6 : i32
        %parallel_loop3A_677 = arith.index_cast %parallel_loop3A_676 : i32 to index
        %parallel_loop3A_678 = arith.index_cast %parallel_loop3A_596 : i32 to index
        %parallel_loop3A_679 = arith.index_cast %parallel_loop3A_614 : i32 to index
        %parallel_loop3A_680 = tpu.vector_load %arg9[%parallel_loop3A_677, %parallel_loop3A_678, %parallel_loop3A_679] {strides = array<i32>} : memref<10x8x512xf32, #tpu.memory_space<vmem>>, vector<16xf32>,
        tpu.vector_store %arg9[%parallel_loop3A_677, %parallel_loop3A_678, %parallel_loop3A_679], %parallel_loop3A_675 {strides = array<i32>} : memref<10x8x512xf32, #tpu.memory_space<vmem>>, vector<16xf32>,
        %parallel_loop3A_681 = arith.constant 700 : i32
        %parallel_loop3A_682 = vector.broadcast %parallel_loop3A_681 : i32 to vector<16xi32>
        %parallel_loop3A_683 = arith.addi %parallel_loop3A_617, %parallel_loop3A_682 : vector<16xi32>
        %parallel_loop3A_684 = tpu.vector_load_idx %arg5[%parallel_loop3A_683] : memref<1000xf32, #tpu.memory_space<vmem>>[vector<16xi32>], vector<16xf32>,
        %parallel_loop3A_685 = arith.constant 7 : i32
        %parallel_loop3A_686 = arith.index_cast %parallel_loop3A_685 : i32 to index
        %parallel_loop3A_687 = arith.index_cast %parallel_loop3A_596 : i32 to index
        %parallel_loop3A_688 = arith.index_cast %parallel_loop3A_614 : i32 to index
        %parallel_loop3A_689 = tpu.vector_load %arg9[%parallel_loop3A_686, %parallel_loop3A_687, %parallel_loop3A_688] {strides = array<i32>} : memref<10x8x512xf32, #tpu.memory_space<vmem>>, vector<16xf32>,
        tpu.vector_store %arg9[%parallel_loop3A_686, %parallel_loop3A_687, %parallel_loop3A_688], %parallel_loop3A_684 {strides = array<i32>} : memref<10x8x512xf32, #tpu.memory_space<vmem>>, vector<16xf32>,
        %parallel_loop3A_690 = arith.constant 800 : i32
        %parallel_loop3A_691 = vector.broadcast %parallel_loop3A_690 : i32 to vector<16xi32>
        %parallel_loop3A_692 = arith.addi %parallel_loop3A_617, %parallel_loop3A_691 : vector<16xi32>
        %parallel_loop3A_693 = tpu.vector_load_idx %arg5[%parallel_loop3A_692] : memref<1000xf32, #tpu.memory_space<vmem>>[vector<16xi32>], vector<16xf32>,
        %parallel_loop3A_694 = arith.constant 8 : i32
        %parallel_loop3A_695 = arith.index_cast %parallel_loop3A_694 : i32 to index
        %parallel_loop3A_696 = arith.index_cast %parallel_loop3A_596 : i32 to index
        %parallel_loop3A_697 = arith.index_cast %parallel_loop3A_614 : i32 to index
        %parallel_loop3A_698 = tpu.vector_load %arg9[%parallel_loop3A_695, %parallel_loop3A_696, %parallel_loop3A_697] {strides = array<i32>} : memref<10x8x512xf32, #tpu.memory_space<vmem>>, vector<16xf32>,
        tpu.vector_store %arg9[%parallel_loop3A_695, %parallel_loop3A_696, %parallel_loop3A_697], %parallel_loop3A_693 {strides = array<i32>} : memref<10x8x512xf32, #tpu.memory_space<vmem>>, vector<16xf32>,
        %parallel_loop3A_699 = arith.constant 900 : i32
        %parallel_loop3A_700 = vector.broadcast %parallel_loop3A_699 : i32 to vector<16xi32>
        %parallel_loop3A_701 = arith.addi %parallel_loop3A_617, %parallel_loop3A_700 : vector<16xi32>
        %parallel_loop3A_702 = tpu.vector_load_idx %arg5[%parallel_loop3A_701] : memref<1000xf32, #tpu.memory_space<vmem>>[vector<16xi32>], vector<16xf32>,
        %parallel_loop3A_703 = arith.constant 9 : i32
        %parallel_loop3A_704 = arith.index_cast %parallel_loop3A_703 : i32 to index
        %parallel_loop3A_705 = arith.index_cast %parallel_loop3A_596 : i32 to index
        %parallel_loop3A_706 = arith.index_cast %parallel_loop3A_614 : i32 to index
        %parallel_loop3A_707 = tpu.vector_load %arg9[%parallel_loop3A_704, %parallel_loop3A_705, %parallel_loop3A_706] {strides = array<i32>} : memref<10x8x512xf32, #tpu.memory_space<vmem>>, vector<16xf32>,
        tpu.vector_store %arg9[%parallel_loop3A_704, %parallel_loop3A_705, %parallel_loop3A_706], %parallel_loop3A_702 {strides = array<i32>} : memref<10x8x512xf32, #tpu.memory_space<vmem>>, vector<16xf32>,
      } {sc.loop_unroll_factor = 8 : i64, sc.parallel_access}
      %jit3A_513 = arith.constant 32 : i32
      %div3A_514 = arith.divsi %add3A_458, %jit3A_513 : i32
      %sign3A_515 = arith.constant 0 : i32
      %sign3A_516 = arith.cmpi sgt, %add3A_458, %sign3A_515 : i32
      %sign3A_517 = arith.extui %sign3A_516 : i1 to i32
      %sign3A_518 = arith.constant 0 : i32
      %sign3A_519 = arith.cmpi slt, %add3A_458, %sign3A_518 : i32
      %sign3A_520 = arith.extui %sign3A_519 : i1 to i32
      %sign3A_521 = arith.subi %sign3A_517, %sign3A_520 : i32
      %sign3A_522 = arith.constant 0 : i32
      %sign3A_523 = arith.cmpi sgt, %jit3A_513, %sign3A_522 : i32
      %sign3A_524 = arith.extui %sign3A_523 : i1 to i32
      %sign3A_525 = arith.constant 0 : i32
      %sign3A_526 = arith.cmpi slt, %jit3A_513, %sign3A_525 : i32
      %sign3A_527 = arith.extui %sign3A_526 : i1 to i32
      %sign3A_528 = arith.subi %sign3A_524, %sign3A_527 : i32
      %ne3A_529 = arith.cmpi ne, %sign3A_521, %sign3A_528 : i32
      %rem3A_530 = arith.remsi %add3A_458, %jit3A_513 : i32
      %ne3A_531 = arith.constant 0 : i32
      %ne3A_532 = arith.cmpi ne, %rem3A_530, %ne3A_531 : i32
      %and3A_533 = arith.andi %ne3A_529, %ne3A_532 : i1
      %sub3A_534 = arith.constant 1 : i32
      %sub3A_535 = arith.subi %div3A_514, %sub3A_534 : i32
      %select_n3A_536 = arith.select %and3A_533, %sub3A_535, %div3A_514 : i32
      %mul3A_537 = arith.constant 8 : i32
      %mul3A_538 = arith.muli %select_n3A_536, %mul3A_537 : i32
      %jit3A_539 = arith.constant 32 : i32
      %eq3A_540 = arith.constant 0 : i32
      %eq3A_541 = arith.cmpi eq, %jit3A_539, %eq3A_540 : i32
      %jit3A_542 = arith.constant 1 : i32
      %select_n3A_543 = arith.select %eq3A_541, %jit3A_542, %jit3A_539 : i32
      %rem3A_544 = arith.remsi %add3A_458, %select_n3A_543 : i32
      %ne3A_545 = arith.constant 0 : i32
      %ne3A_546 = arith.cmpi ne, %rem3A_544, %ne3A_545 : i32
      %lt3A_547 = arith.constant 0 : i32
      %lt3A_548 = arith.cmpi slt, %rem3A_544, %lt3A_547 : i32
      %lt3A_549 = arith.constant 0 : i32
      %lt3A_550 = arith.cmpi slt, %select_n3A_543, %lt3A_549 : i32
      %ne3A_551 = arith.xori %lt3A_548, %lt3A_550 : i1
      %and3A_552 = arith.andi %ne3A_551, %ne3A_546 : i1
      %add3A_553 = arith.addi %rem3A_544, %select_n3A_543 : i32
      %select_n3A_554 = arith.select %and3A_552, %add3A_553, %rem3A_544 : i32
      %mul3A_555 = arith.constant 512 : i32
      %mul3A_556 = arith.muli %select_n3A_554, %mul3A_555 : i32
      %dma_start3A_557 = arith.constant 0 : i32
      %dma_start3A_558 = tpu.memref_slice %arg4[%dma_start3A_557, %mul3A_538, %mul3A_556] : memref<10x200x16384xf32, #tpu.memory_space<hbm>> -> memref<10x8x512xf32, #tpu.memory_space<hbm>>
      %dma_start3A_559 = arith.constant 0 : i32
      %dma_start3A_560 = tpu.memref_slice %arg4[%dma_start3A_559, %mul3A_538, %mul3A_556] : memref<10x200x16384xf32, #tpu.memory_space<hbm>> -> memref<10x8x512xf32, #tpu.memory_space<hbm>>
      tpu.enqueue_dma source(%arg9 : memref<10x8x512xf32, #tpu.memory_space<vmem>>) target(%dma_start3A_560 : memref<10x8x512xf32, #tpu.memory_space<hbm>>) target_semaphore(%arg13 : memref<!tpu.dma_semaphore, #tpu.memory_space<semaphore_mem>>)
      %mul3A_561 = arith.constant 2 : i32
      %mul3A_562 = arith.muli %mul3A_561, %scan3A_338 : i32
      %add3A_563 = arith.constant 1 : i32
      %add3A_564 = arith.addi %mul3A_562, %add3A_563 : i32
      %add3A_565 = arith.constant 2 : i32
      %add3A_566 = arith.addi %add3A_564, %add3A_565 : i32
      %lt3A_567 = arith.constant 25 : i32
      %lt3A_568 = arith.cmpi slt, %add3A_566, %lt3A_567 : i32
      %convert_element_type3A_569 = arith.extui %lt3A_568 : i1 to i32
      %cond3A_570 = arith.constant 0 : i32
      %cond3A_571 = arith.cmpi ne, %convert_element_type3A_569, %cond3A_570 : i32
      scf.if %cond3A_571 {
        %add3A_572 = arith.constant 2 : i32
        %add3A_573 = arith.addi %add3A_458, %add3A_572 : i32
        %jit3A_574 = arith.constant 32 : i32
        %div3A_575 = arith.divsi %add3A_573, %jit3A_574 : i32
        %sign3A_576 = arith.constant 0 : i32
        %sign3A_577 = arith.cmpi sgt, %add3A_573, %sign3A_576 : i32
        %sign3A_578 = arith.extui %sign3A_577 : i1 to i32
        %sign3A_579 = arith.constant 0 : i32
        %sign3A_580 = arith.cmpi slt, %add3A_573, %sign3A_579 : i32
        %sign3A_581 = arith.extui %sign3A_580 : i1 to i32
        %sign3A_582 = arith.subi %sign3A_578, %sign3A_581 : i32
        %sign3A_583 = arith.constant 0 : i32
        %sign3A_584 = arith.cmpi sgt, %jit3A_574, %sign3A_583 : i32
        %sign3A_585 = arith.extui %sign3A_584 : i1 to i32
        %sign3A_586 = arith.constant 0 : i32
        %sign3A_587 = arith.cmpi slt, %jit3A_574, %sign3A_586 : i32
        %sign3A_588 = arith.extui %sign3A_587 : i1 to i32
        %sign3A_589 = arith.subi %sign3A_585, %sign3A_588 : i32
        %ne3A_590 = arith.cmpi ne, %sign3A_582, %sign3A_589 : i32
        %rem3A_591 = arith.remsi %add3A_573, %jit3A_574 : i32
        %ne3A_592 = arith.constant 0 : i32
        %ne3A_593 = arith.cmpi ne, %rem3A_591, %ne3A_592 : i32
        %and3A_594 = arith.andi %ne3A_590, %ne3A_593 : i1
        %sub3A_595 = arith.constant 1 : i32
        %sub3A_596 = arith.subi %div3A_575, %sub3A_595 : i32
        %select_n3A_597 = arith.select %and3A_594, %sub3A_596, %div3A_575 : i32
        %mul3A_598 = arith.constant 8 : i32
        %mul3A_599 = arith.muli %select_n3A_597, %mul3A_598 : i32
        %jit3A_600 = arith.constant 32 : i32
        %eq3A_601 = arith.constant 0 : i32
        %eq3A_602 = arith.cmpi eq, %jit3A_600, %eq3A_601 : i32
        %jit3A_603 = arith.constant 1 : i32
        %select_n3A_604 = arith.select %eq3A_602, %jit3A_603, %jit3A_600 : i32
        %rem3A_605 = arith.remsi %add3A_573, %select_n3A_604 : i32
        %ne3A_606 = arith.constant 0 : i32
        %ne3A_607 = arith.cmpi ne, %rem3A_605, %ne3A_606 : i32
        %lt3A_608 = arith.constant 0 : i32
        %lt3A_609 = arith.cmpi slt, %rem3A_605, %lt3A_608 : i32
        %lt3A_610 = arith.constant 0 : i32
        %lt3A_611 = arith.cmpi slt, %select_n3A_604, %lt3A_610 : i32
        %ne3A_612 = arith.xori %lt3A_609, %lt3A_611 : i1
        %and3A_613 = arith.andi %ne3A_612, %ne3A_607 : i1
        %add3A_614 = arith.addi %rem3A_605, %select_n3A_604 : i32
        %select_n3A_615 = arith.select %and3A_613, %add3A_614, %rem3A_605 : i32
        %mul3A_616 = arith.constant 512 : i32
        %mul3A_617 = arith.muli %select_n3A_615, %mul3A_616 : i32
        %dma_start3A_618 = tpu.memref_slice %arg2[%mul3A_599, %mul3A_617] : memref<200x16384xi32, #tpu.memory_space<hbm>> -> memref<8x512xi32, #tpu.memory_space<hbm>>
        %dma_start3A_619 = tpu.memref_slice %arg2[%mul3A_599, %mul3A_617] : memref<200x16384xi32, #tpu.memory_space<hbm>> -> memref<8x512xi32, #tpu.memory_space<hbm>>
        tpu.enqueue_dma source(%dma_start3A_619 : memref<8x512xi32, #tpu.memory_space<hbm>>) target(%arg7 : memref<8x512xi32, #tpu.memory_space<vmem>>) target_semaphore(%arg11 : memref<!tpu.dma_semaphore, #tpu.memory_space<semaphore_mem>>)
      } else {
      }
    }
    %scan3A_90 = arith.constant 12 : i32
    %add3A_91 = arith.constant 25 : i32
    %add3A_92 = arith.addi %mul3A_2, %add3A_91 : i32
    %sub3A_93 = arith.constant 1 : i32
    %sub3A_94 = arith.subi %add3A_92, %sub3A_93 : i32
    %jit3A_95 = arith.constant 32 : i32
    %div3A_96 = arith.divsi %sub3A_94, %jit3A_95 : i32
    %sign3A_97 = arith.constant 0 : i32
    %sign3A_98 = arith.cmpi sgt, %sub3A_94, %sign3A_97 : i32
    %sign3A_99 = arith.extui %sign3A_98 : i1 to i32
    %sign3A_100 = arith.constant 0 : i32
    %sign3A_101 = arith.cmpi slt, %sub3A_94, %sign3A_100 : i32
    %sign3A_102 = arith.extui %sign3A_101 : i1 to i32
    %sign3A_103 = arith.subi %sign3A_99, %sign3A_102 : i32
    %sign3A_104 = arith.constant 0 : i32
    %sign3A_105 = arith.cmpi sgt, %jit3A_95, %sign3A_104 : i32
    %sign3A_106 = arith.extui %sign3A_105 : i1 to i32
    %sign3A_107 = arith.constant 0 : i32
    %sign3A_108 = arith.cmpi slt, %jit3A_95, %sign3A_107 : i32
    %sign3A_109 = arith.extui %sign3A_108 : i1 to i32
    %sign3A_110 = arith.subi %sign3A_106, %sign3A_109 : i32
    %ne3A_111 = arith.cmpi ne, %sign3A_103, %sign3A_110 : i32
    %rem3A_112 = arith.remsi %sub3A_94, %jit3A_95 : i32
    %ne3A_113 = arith.constant 0 : i32
    %ne3A_114 = arith.cmpi ne, %rem3A_112, %ne3A_113 : i32
    %and3A_115 = arith.andi %ne3A_111, %ne3A_114 : i1
    %sub3A_116 = arith.constant 1 : i32
    %sub3A_117 = arith.subi %div3A_96, %sub3A_116 : i32
    %select_n3A_118 = arith.select %and3A_115, %sub3A_117, %div3A_96 : i32
    %mul3A_119 = arith.constant 8 : i32
    %mul3A_120 = arith.muli %select_n3A_118, %mul3A_119 : i32
    %jit3A_121 = arith.constant 32 : i32
    %eq3A_122 = arith.constant 0 : i32
    %eq3A_123 = arith.cmpi eq, %jit3A_121, %eq3A_122 : i32
    %jit3A_124 = arith.constant 1 : i32
    %select_n3A_125 = arith.select %eq3A_123, %jit3A_124, %jit3A_121 : i32
    %rem3A_126 = arith.remsi %sub3A_94, %select_n3A_125 : i32
    %ne3A_127 = arith.constant 0 : i32
    %ne3A_128 = arith.cmpi ne, %rem3A_126, %ne3A_127 : i32
    %lt3A_129 = arith.constant 0 : i32
    %lt3A_130 = arith.cmpi slt, %rem3A_126, %lt3A_129 : i32
    %lt3A_131 = arith.constant 0 : i32
    %lt3A_132 = arith.cmpi slt, %select_n3A_125, %lt3A_131 : i32
    %ne3A_133 = arith.xori %lt3A_130, %lt3A_132 : i1
    %and3A_134 = arith.andi %ne3A_133, %ne3A_128 : i1
    %add3A_135 = arith.addi %rem3A_126, %select_n3A_125 : i32
    %select_n3A_136 = arith.select %and3A_134, %add3A_135, %rem3A_126 : i32
    %mul3A_137 = arith.constant 512 : i32
    %mul3A_138 = arith.muli %select_n3A_136, %mul3A_137 : i32
    %dma_wait3A = tpu.memref_slice %arg2[%mul3A_120, %mul3A_138] : memref<200x16384xi32, #tpu.memory_space<hbm>> -> memref<8x512xi32, #tpu.memory_space<hbm>>
    %dma_wait3A_139 = tpu.memref_slice %arg2[%mul3A_120, %mul3A_138] : memref<200x16384xi32, #tpu.memory_space<hbm>> -> memref<8x512xi32, #tpu.memory_space<hbm>>
    tpu.wait_dma2 semaphore(%arg10 : memref<!tpu.dma_semaphore, #tpu.memory_space<semaphore_mem>>) src(%dma_wait3A_139 : memref<8x512xi32, #tpu.memory_space<hbm>>) dst(%arg6 : memref<8x512xi32, #tpu.memory_space<vmem>>)
    %sub3A_140 = arith.constant 2 : i32
    %sub3A_141 = arith.subi %sub3A_94, %sub3A_140 : i32
    %jit3A_142 = arith.constant 32 : i32
    %div3A_143 = arith.divsi %sub3A_141, %jit3A_142 : i32
    %sign3A_144 = arith.constant 0 : i32
    %sign3A_145 = arith.cmpi sgt, %sub3A_141, %sign3A_144 : i32
    %sign3A_146 = arith.extui %sign3A_145 : i1 to i32
    %sign3A_147 = arith.constant 0 : i32
    %sign3A_148 = arith.cmpi slt, %sub3A_141, %sign3A_147 : i32
    %sign3A_149 = arith.extui %sign3A_148 : i1 to i32
    %sign3A_150 = arith.subi %sign3A_146, %sign3A_149 : i32
    %sign3A_151 = arith.constant 0 : i32
    %sign3A_152 = arith.cmpi sgt, %jit3A_142, %sign3A_151 : i32
    %sign3A_153 = arith.extui %sign3A_152 : i1 to i32
    %sign3A_154 = arith.constant 0 : i32
    %sign3A_155 = arith.cmpi slt, %jit3A_142, %sign3A_154 : i32
    %sign3A_156 = arith.extui %sign3A_155 : i1 to i32
    %sign3A_157 = arith.subi %sign3A_153, %sign3A_156 : i32
    %ne3A_158 = arith.cmpi ne, %sign3A_150, %sign3A_157 : i32
    %rem3A_159 = arith.remsi %sub3A_141, %jit3A_142 : i32
    %ne3A_160 = arith.constant 0 : i32
    %ne3A_161 = arith.cmpi ne, %rem3A_159, %ne3A_160 : i32
    %and3A_162 = arith.andi %ne3A_158, %ne3A_161 : i1
    %sub3A_163 = arith.constant 1 : i32
    %sub3A_164 = arith.subi %div3A_143, %sub3A_163 : i32
    %select_n3A_165 = arith.select %and3A_162, %sub3A_164, %div3A_143 : i32
    %mul3A_166 = arith.constant 8 : i32
    %mul3A_167 = arith.muli %select_n3A_165, %mul3A_166 : i32
    %jit3A_168 = arith.constant 32 : i32
    %eq3A_169 = arith.constant 0 : i32
    %eq3A_170 = arith.cmpi eq, %jit3A_168, %eq3A_169 : i32
    %jit3A_171 = arith.constant 1 : i32
    %select_n3A_172 = arith.select %eq3A_170, %jit3A_171, %jit3A_168 : i32
    %rem3A_173 = arith.remsi %sub3A_141, %select_n3A_172 : i32
    %ne3A_174 = arith.constant 0 : i32
    %ne3A_175 = arith.cmpi ne, %rem3A_173, %ne3A_174 : i32
    %lt3A_176 = arith.constant 0 : i32
    %lt3A_177 = arith.cmpi slt, %rem3A_173, %lt3A_176 : i32
    %lt3A_178 = arith.constant 0 : i32
    %lt3A_179 = arith.cmpi slt, %select_n3A_172, %lt3A_178 : i32
    %ne3A_180 = arith.xori %lt3A_177, %lt3A_179 : i1
    %and3A_181 = arith.andi %ne3A_180, %ne3A_175 : i1
    %add3A_182 = arith.addi %rem3A_173, %select_n3A_172 : i32
    %select_n3A_183 = arith.select %and3A_181, %add3A_182, %rem3A_173 : i32
    %mul3A_184 = arith.constant 512 : i32
    %mul3A_185 = arith.muli %select_n3A_183, %mul3A_184 : i32
    %dma_wait3A_186 = arith.constant 0 : i32
    %dma_wait3A_187 = tpu.memref_slice %arg4[%dma_wait3A_186, %mul3A_167, %mul3A_185] : memref<10x200x16384xf32, #tpu.memory_space<hbm>> -> memref<10x8x512xf32, #tpu.memory_space<hbm>>
    %dma_wait3A_188 = arith.constant 0 : i32
    %dma_wait3A_189 = tpu.memref_slice %arg4[%dma_wait3A_188, %mul3A_167, %mul3A_185] : memref<10x200x16384xf32, #tpu.memory_space<hbm>> -> memref<10x8x512xf32, #tpu.memory_space<hbm>>
    tpu.wait_dma2 semaphore(%arg12 : memref<!tpu.dma_semaphore, #tpu.memory_space<semaphore_mem>>) src(%arg8 : memref<10x8x512xf32, #tpu.memory_space<vmem>>) dst(%dma_wait3A_189 : memref<10x8x512xf32, #tpu.memory_space<hbm>>)
    %parallel_loop3A = arith.constant 0 : i32
    %parallel_loop3A_190 = arith.constant 256 : i32
    %parallel_loop3A_191 = arith.constant 1 : i32
    scf.for %parallel_loop3A_338 = %parallel_loop3A to %parallel_loop3A_190 step %parallel_loop3A_191  : i32 {
      %parallel_loop3A_339 = arith.constant 32 : i32
      %parallel_loop3A_340 = arith.divsi %parallel_loop3A_338, %parallel_loop3A_339 : i32
      %parallel_loop3A_341 = arith.constant 0 : i32
      %parallel_loop3A_342 = arith.cmpi sgt, %parallel_loop3A_338, %parallel_loop3A_341 : i32
      %parallel_loop3A_343 = arith.extui %parallel_loop3A_342 : i1 to i32
      %parallel_loop3A_344 = arith.constant 0 : i32
      %parallel_loop3A_345 = arith.cmpi slt, %parallel_loop3A_338, %parallel_loop3A_344 : i32
      %parallel_loop3A_346 = arith.extui %parallel_loop3A_345 : i1 to i32
      %parallel_loop3A_347 = arith.subi %parallel_loop3A_343, %parallel_loop3A_346 : i32
      %parallel_loop3A_348 = arith.constant 0 : i32
      %parallel_loop3A_349 = arith.cmpi sgt, %parallel_loop3A_339, %parallel_loop3A_348 : i32
      %parallel_loop3A_350 = arith.extui %parallel_loop3A_349 : i1 to i32
      %parallel_loop3A_351 = arith.constant 0 : i32
      %parallel_loop3A_352 = arith.cmpi slt, %parallel_loop3A_339, %parallel_loop3A_351 : i32
      %parallel_loop3A_353 = arith.extui %parallel_loop3A_352 : i1 to i32
      %parallel_loop3A_354 = arith.subi %parallel_loop3A_350, %parallel_loop3A_353 : i32
      %parallel_loop3A_355 = arith.cmpi ne, %parallel_loop3A_347, %parallel_loop3A_354 : i32
      %parallel_loop3A_356 = arith.remsi %parallel_loop3A_338, %parallel_loop3A_339 : i32
      %parallel_loop3A_357 = arith.constant 0 : i32
      %parallel_loop3A_358 = arith.cmpi ne, %parallel_loop3A_356, %parallel_loop3A_357 : i32
      %parallel_loop3A_359 = arith.andi %parallel_loop3A_355, %parallel_loop3A_358 : i1
      %parallel_loop3A_360 = arith.constant 1 : i32
      %parallel_loop3A_361 = arith.subi %parallel_loop3A_340, %parallel_loop3A_360 : i32
      %parallel_loop3A_362 = arith.select %parallel_loop3A_359, %parallel_loop3A_361, %parallel_loop3A_340 : i32
      %parallel_loop3A_363 = arith.constant 32 : i32
      %parallel_loop3A_364 = arith.constant 0 : i32
      %parallel_loop3A_365 = arith.cmpi eq, %parallel_loop3A_363, %parallel_loop3A_364 : i32
      %parallel_loop3A_366 = arith.constant 1 : i32
      %parallel_loop3A_367 = arith.select %parallel_loop3A_365, %parallel_loop3A_366, %parallel_loop3A_363 : i32
      %parallel_loop3A_368 = arith.remsi %parallel_loop3A_338, %parallel_loop3A_367 : i32
      %parallel_loop3A_369 = arith.constant 0 : i32
      %parallel_loop3A_370 = arith.cmpi ne, %parallel_loop3A_368, %parallel_loop3A_369 : i32
      %parallel_loop3A_371 = arith.constant 0 : i32
      %parallel_loop3A_372 = arith.cmpi slt, %parallel_loop3A_368, %parallel_loop3A_371 : i32
      %parallel_loop3A_373 = arith.constant 0 : i32
      %parallel_loop3A_374 = arith.cmpi slt, %parallel_loop3A_367, %parallel_loop3A_373 : i32
      %parallel_loop3A_375 = arith.xori %parallel_loop3A_372, %parallel_loop3A_374 : i1
      %parallel_loop3A_376 = arith.andi %parallel_loop3A_375, %parallel_loop3A_370 : i1
      %parallel_loop3A_377 = arith.addi %parallel_loop3A_368, %parallel_loop3A_367 : i32
      %parallel_loop3A_378 = arith.select %parallel_loop3A_376, %parallel_loop3A_377, %parallel_loop3A_368 : i32
      %parallel_loop3A_379 = arith.constant 16 : i32
      %parallel_loop3A_380 = arith.muli %parallel_loop3A_378, %parallel_loop3A_379 : i32
      %parallel_loop3A_381 = arith.index_cast %parallel_loop3A_362 : i32 to index
      %parallel_loop3A_382 = arith.index_cast %parallel_loop3A_380 : i32 to index
      %parallel_loop3A_383 = tpu.vector_load %arg6[%parallel_loop3A_381, %parallel_loop3A_382] {strides = array<i32>} : memref<8x512xi32, #tpu.memory_space<vmem>>, vector<16xi32>,
      %parallel_loop3A_384 = arith.constant 0 : i32
      %parallel_loop3A_385 = vector.broadcast %parallel_loop3A_384 : i32 to vector<16xi32>
      %parallel_loop3A_386 = arith.addi %parallel_loop3A_383, %parallel_loop3A_385 : vector<16xi32>
      %parallel_loop3A_387 = tpu.vector_load_idx %arg5[%parallel_loop3A_386] : memref<1000xf32, #tpu.memory_space<vmem>>[vector<16xi32>], vector<16xf32>,
      %parallel_loop3A_388 = arith.constant 0 : i32
      %parallel_loop3A_389 = arith.index_cast %parallel_loop3A_388 : i32 to index
      %parallel_loop3A_390 = arith.index_cast %parallel_loop3A_362 : i32 to index
      %parallel_loop3A_391 = arith.index_cast %parallel_loop3A_380 : i32 to index
      %parallel_loop3A_392 = tpu.vector_load %arg8[%parallel_loop3A_389, %parallel_loop3A_390, %parallel_loop3A_391] {strides = array<i32>} : memref<10x8x512xf32, #tpu.memory_space<vmem>>, vector<16xf32>,
      tpu.vector_store %arg8[%parallel_loop3A_389, %parallel_loop3A_390, %parallel_loop3A_391], %parallel_loop3A_387 {strides = array<i32>} : memref<10x8x512xf32, #tpu.memory_space<vmem>>, vector<16xf32>,
      %parallel_loop3A_393 = arith.constant 100 : i32
      %parallel_loop3A_394 = vector.broadcast %parallel_loop3A_393 : i32 to vector<16xi32>
      %parallel_loop3A_395 = arith.addi %parallel_loop3A_383, %parallel_loop3A_394 : vector<16xi32>
      %parallel_loop3A_396 = tpu.vector_load_idx %arg5[%parallel_loop3A_395] : memref<1000xf32, #tpu.memory_space<vmem>>[vector<16xi32>], vector<16xf32>,
      %parallel_loop3A_397 = arith.constant 1 : i32
      %parallel_loop3A_398 = arith.index_cast %parallel_loop3A_397 : i32 to index
      %parallel_loop3A_399 = arith.index_cast %parallel_loop3A_362 : i32 to index
      %parallel_loop3A_400 = arith.index_cast %parallel_loop3A_380 : i32 to index
      %parallel_loop3A_401 = tpu.vector_load %arg8[%parallel_loop3A_398, %parallel_loop3A_399, %parallel_loop3A_400] {strides = array<i32>} : memref<10x8x512xf32, #tpu.memory_space<vmem>>, vector<16xf32>,
      tpu.vector_store %arg8[%parallel_loop3A_398, %parallel_loop3A_399, %parallel_loop3A_400], %parallel_loop3A_396 {strides = array<i32>} : memref<10x8x512xf32, #tpu.memory_space<vmem>>, vector<16xf32>,
      %parallel_loop3A_402 = arith.constant 200 : i32
      %parallel_loop3A_403 = vector.broadcast %parallel_loop3A_402 : i32 to vector<16xi32>
      %parallel_loop3A_404 = arith.addi %parallel_loop3A_383, %parallel_loop3A_403 : vector<16xi32>
      %parallel_loop3A_405 = tpu.vector_load_idx %arg5[%parallel_loop3A_404] : memref<1000xf32, #tpu.memory_space<vmem>>[vector<16xi32>], vector<16xf32>,
      %parallel_loop3A_406 = arith.constant 2 : i32
      %parallel_loop3A_407 = arith.index_cast %parallel_loop3A_406 : i32 to index
      %parallel_loop3A_408 = arith.index_cast %parallel_loop3A_362 : i32 to index
      %parallel_loop3A_409 = arith.index_cast %parallel_loop3A_380 : i32 to index
      %parallel_loop3A_410 = tpu.vector_load %arg8[%parallel_loop3A_407, %parallel_loop3A_408, %parallel_loop3A_409] {strides = array<i32>} : memref<10x8x512xf32, #tpu.memory_space<vmem>>, vector<16xf32>,
      tpu.vector_store %arg8[%parallel_loop3A_407, %parallel_loop3A_408, %parallel_loop3A_409], %parallel_loop3A_405 {strides = array<i32>} : memref<10x8x512xf32, #tpu.memory_space<vmem>>, vector<16xf32>,
      %parallel_loop3A_411 = arith.constant 300 : i32
      %parallel_loop3A_412 = vector.broadcast %parallel_loop3A_411 : i32 to vector<16xi32>
      %parallel_loop3A_413 = arith.addi %parallel_loop3A_383, %parallel_loop3A_412 : vector<16xi32>
      %parallel_loop3A_414 = tpu.vector_load_idx %arg5[%parallel_loop3A_413] : memref<1000xf32, #tpu.memory_space<vmem>>[vector<16xi32>], vector<16xf32>,
      %parallel_loop3A_415 = arith.constant 3 : i32
      %parallel_loop3A_416 = arith.index_cast %parallel_loop3A_415 : i32 to index
      %parallel_loop3A_417 = arith.index_cast %parallel_loop3A_362 : i32 to index
      %parallel_loop3A_418 = arith.index_cast %parallel_loop3A_380 : i32 to index
      %parallel_loop3A_419 = tpu.vector_load %arg8[%parallel_loop3A_416, %parallel_loop3A_417, %parallel_loop3A_418] {strides = array<i32>} : memref<10x8x512xf32, #tpu.memory_space<vmem>>, vector<16xf32>,
      tpu.vector_store %arg8[%parallel_loop3A_416, %parallel_loop3A_417, %parallel_loop3A_418], %parallel_loop3A_414 {strides = array<i32>} : memref<10x8x512xf32, #tpu.memory_space<vmem>>, vector<16xf32>,
      %parallel_loop3A_420 = arith.constant 400 : i32
      %parallel_loop3A_421 = vector.broadcast %parallel_loop3A_420 : i32 to vector<16xi32>
      %parallel_loop3A_422 = arith.addi %parallel_loop3A_383, %parallel_loop3A_421 : vector<16xi32>
      %parallel_loop3A_423 = tpu.vector_load_idx %arg5[%parallel_loop3A_422] : memref<1000xf32, #tpu.memory_space<vmem>>[vector<16xi32>], vector<16xf32>,
      %parallel_loop3A_424 = arith.constant 4 : i32
      %parallel_loop3A_425 = arith.index_cast %parallel_loop3A_424 : i32 to index
      %parallel_loop3A_426 = arith.index_cast %parallel_loop3A_362 : i32 to index
      %parallel_loop3A_427 = arith.index_cast %parallel_loop3A_380 : i32 to index
      %parallel_loop3A_428 = tpu.vector_load %arg8[%parallel_loop3A_425, %parallel_loop3A_426, %parallel_loop3A_427] {strides = array<i32>} : memref<10x8x512xf32, #tpu.memory_space<vmem>>, vector<16xf32>,
      tpu.vector_store %arg8[%parallel_loop3A_425, %parallel_loop3A_426, %parallel_loop3A_427], %parallel_loop3A_423 {strides = array<i32>} : memref<10x8x512xf32, #tpu.memory_space<vmem>>, vector<16xf32>,
      %parallel_loop3A_429 = arith.constant 500 : i32
      %parallel_loop3A_430 = vector.broadcast %parallel_loop3A_429 : i32 to vector<16xi32>
      %parallel_loop3A_431 = arith.addi %parallel_loop3A_383, %parallel_loop3A_430 : vector<16xi32>
      %parallel_loop3A_432 = tpu.vector_load_idx %arg5[%parallel_loop3A_431] : memref<1000xf32, #tpu.memory_space<vmem>>[vector<16xi32>], vector<16xf32>,
      %parallel_loop3A_433 = arith.constant 5 : i32
      %parallel_loop3A_434 = arith.index_cast %parallel_loop3A_433 : i32 to index
      %parallel_loop3A_435 = arith.index_cast %parallel_loop3A_362 : i32 to index
      %parallel_loop3A_436 = arith.index_cast %parallel_loop3A_380 : i32 to index
      %parallel_loop3A_437 = tpu.vector_load %arg8[%parallel_loop3A_434, %parallel_loop3A_435, %parallel_loop3A_436] {strides = array<i32>} : memref<10x8x512xf32, #tpu.memory_space<vmem>>, vector<16xf32>,
      tpu.vector_store %arg8[%parallel_loop3A_434, %parallel_loop3A_435, %parallel_loop3A_436], %parallel_loop3A_432 {strides = array<i32>} : memref<10x8x512xf32, #tpu.memory_space<vmem>>, vector<16xf32>,
      %parallel_loop3A_438 = arith.constant 600 : i32
      %parallel_loop3A_439 = vector.broadcast %parallel_loop3A_438 : i32 to vector<16xi32>
      %parallel_loop3A_440 = arith.addi %parallel_loop3A_383, %parallel_loop3A_439 : vector<16xi32>
      %parallel_loop3A_441 = tpu.vector_load_idx %arg5[%parallel_loop3A_440] : memref<1000xf32, #tpu.memory_space<vmem>>[vector<16xi32>], vector<16xf32>,
      %parallel_loop3A_442 = arith.constant 6 : i32
      %parallel_loop3A_443 = arith.index_cast %parallel_loop3A_442 : i32 to index
      %parallel_loop3A_444 = arith.index_cast %parallel_loop3A_362 : i32 to index
      %parallel_loop3A_445 = arith.index_cast %parallel_loop3A_380 : i32 to index
      %parallel_loop3A_446 = tpu.vector_load %arg8[%parallel_loop3A_443, %parallel_loop3A_444, %parallel_loop3A_445] {strides = array<i32>} : memref<10x8x512xf32, #tpu.memory_space<vmem>>, vector<16xf32>,
      tpu.vector_store %arg8[%parallel_loop3A_443, %parallel_loop3A_444, %parallel_loop3A_445], %parallel_loop3A_441 {strides = array<i32>} : memref<10x8x512xf32, #tpu.memory_space<vmem>>, vector<16xf32>,
      %parallel_loop3A_447 = arith.constant 700 : i32
      %parallel_loop3A_448 = vector.broadcast %parallel_loop3A_447 : i32 to vector<16xi32>
      %parallel_loop3A_449 = arith.addi %parallel_loop3A_383, %parallel_loop3A_448 : vector<16xi32>
      %parallel_loop3A_450 = tpu.vector_load_idx %arg5[%parallel_loop3A_449] : memref<1000xf32, #tpu.memory_space<vmem>>[vector<16xi32>], vector<16xf32>,
      %parallel_loop3A_451 = arith.constant 7 : i32
      %parallel_loop3A_452 = arith.index_cast %parallel_loop3A_451 : i32 to index
      %parallel_loop3A_453 = arith.index_cast %parallel_loop3A_362 : i32 to index
      %parallel_loop3A_454 = arith.index_cast %parallel_loop3A_380 : i32 to index
      %parallel_loop3A_455 = tpu.vector_load %arg8[%parallel_loop3A_452, %parallel_loop3A_453, %parallel_loop3A_454] {strides = array<i32>} : memref<10x8x512xf32, #tpu.memory_space<vmem>>, vector<16xf32>,
      tpu.vector_store %arg8[%parallel_loop3A_452, %parallel_loop3A_453, %parallel_loop3A_454], %parallel_loop3A_450 {strides = array<i32>} : memref<10x8x512xf32, #tpu.memory_space<vmem>>, vector<16xf32>,
      %parallel_loop3A_456 = arith.constant 800 : i32
      %parallel_loop3A_457 = vector.broadcast %parallel_loop3A_456 : i32 to vector<16xi32>
      %parallel_loop3A_458 = arith.addi %parallel_loop3A_383, %parallel_loop3A_457 : vector<16xi32>
      %parallel_loop3A_459 = tpu.vector_load_idx %arg5[%parallel_loop3A_458] : memref<1000xf32, #tpu.memory_space<vmem>>[vector<16xi32>], vector<16xf32>,
      %parallel_loop3A_460 = arith.constant 8 : i32
      %parallel_loop3A_461 = arith.index_cast %parallel_loop3A_460 : i32 to index
      %parallel_loop3A_462 = arith.index_cast %parallel_loop3A_362 : i32 to index
      %parallel_loop3A_463 = arith.index_cast %parallel_loop3A_380 : i32 to index
      %parallel_loop3A_464 = tpu.vector_load %arg8[%parallel_loop3A_461, %parallel_loop3A_462, %parallel_loop3A_463] {strides = array<i32>} : memref<10x8x512xf32, #tpu.memory_space<vmem>>, vector<16xf32>,
      tpu.vector_store %arg8[%parallel_loop3A_461, %parallel_loop3A_462, %parallel_loop3A_463], %parallel_loop3A_459 {strides = array<i32>} : memref<10x8x512xf32, #tpu.memory_space<vmem>>, vector<16xf32>,
      %parallel_loop3A_465 = arith.constant 900 : i32
      %parallel_loop3A_466 = vector.broadcast %parallel_loop3A_465 : i32 to vector<16xi32>
      %parallel_loop3A_467 = arith.addi %parallel_loop3A_383, %parallel_loop3A_466 : vector<16xi32>
      %parallel_loop3A_468 = tpu.vector_load_idx %arg5[%parallel_loop3A_467] : memref<1000xf32, #tpu.memory_space<vmem>>[vector<16xi32>], vector<16xf32>,
      %parallel_loop3A_469 = arith.constant 9 : i32
      %parallel_loop3A_470 = arith.index_cast %parallel_loop3A_469 : i32 to index
      %parallel_loop3A_471 = arith.index_cast %parallel_loop3A_362 : i32 to index
      %parallel_loop3A_472 = arith.index_cast %parallel_loop3A_380 : i32 to index
      %parallel_loop3A_473 = tpu.vector_load %arg8[%parallel_loop3A_470, %parallel_loop3A_471, %parallel_loop3A_472] {strides = array<i32>} : memref<10x8x512xf32, #tpu.memory_space<vmem>>, vector<16xf32>,
      tpu.vector_store %arg8[%parallel_loop3A_470, %parallel_loop3A_471, %parallel_loop3A_472], %parallel_loop3A_468 {strides = array<i32>} : memref<10x8x512xf32, #tpu.memory_space<vmem>>, vector<16xf32>,
    } {sc.loop_unroll_factor = 8 : i64, sc.parallel_access}
    %jit3A_192 = arith.constant 32 : i32
    %div3A_193 = arith.divsi %sub3A_94, %jit3A_192 : i32
    %sign3A_194 = arith.constant 0 : i32
    %sign3A_195 = arith.cmpi sgt, %sub3A_94, %sign3A_194 : i32
    %sign3A_196 = arith.extui %sign3A_195 : i1 to i32
    %sign3A_197 = arith.constant 0 : i32
    %sign3A_198 = arith.cmpi slt, %sub3A_94, %sign3A_197 : i32
    %sign3A_199 = arith.extui %sign3A_198 : i1 to i32
    %sign3A_200 = arith.subi %sign3A_196, %sign3A_199 : i32
    %sign3A_201 = arith.constant 0 : i32
    %sign3A_202 = arith.cmpi sgt, %jit3A_192, %sign3A_201 : i32
    %sign3A_203 = arith.extui %sign3A_202 : i1 to i32
    %sign3A_204 = arith.constant 0 : i32
    %sign3A_205 = arith.cmpi slt, %jit3A_192, %sign3A_204 : i32
    %sign3A_206 = arith.extui %sign3A_205 : i1 to i32
    %sign3A_207 = arith.subi %sign3A_203, %sign3A_206 : i32
    %ne3A_208 = arith.cmpi ne, %sign3A_200, %sign3A_207 : i32
    %rem3A_209 = arith.remsi %sub3A_94, %jit3A_192 : i32
    %ne3A_210 = arith.constant 0 : i32
    %ne3A_211 = arith.cmpi ne, %rem3A_209, %ne3A_210 : i32
    %and3A_212 = arith.andi %ne3A_208, %ne3A_211 : i1
    %sub3A_213 = arith.constant 1 : i32
    %sub3A_214 = arith.subi %div3A_193, %sub3A_213 : i32
    %select_n3A_215 = arith.select %and3A_212, %sub3A_214, %div3A_193 : i32
    %mul3A_216 = arith.constant 8 : i32
    %mul3A_217 = arith.muli %select_n3A_215, %mul3A_216 : i32
    %jit3A_218 = arith.constant 32 : i32
    %eq3A_219 = arith.constant 0 : i32
    %eq3A_220 = arith.cmpi eq, %jit3A_218, %eq3A_219 : i32
    %jit3A_221 = arith.constant 1 : i32
    %select_n3A_222 = arith.select %eq3A_220, %jit3A_221, %jit3A_218 : i32
    %rem3A_223 = arith.remsi %sub3A_94, %select_n3A_222 : i32
    %ne3A_224 = arith.constant 0 : i32
    %ne3A_225 = arith.cmpi ne, %rem3A_223, %ne3A_224 : i32
    %lt3A_226 = arith.constant 0 : i32
    %lt3A_227 = arith.cmpi slt, %rem3A_223, %lt3A_226 : i32
    %lt3A_228 = arith.constant 0 : i32
    %lt3A_229 = arith.cmpi slt, %select_n3A_222, %lt3A_228 : i32
    %ne3A_230 = arith.xori %lt3A_227, %lt3A_229 : i1
    %and3A_231 = arith.andi %ne3A_230, %ne3A_225 : i1
    %add3A_232 = arith.addi %rem3A_223, %select_n3A_222 : i32
    %select_n3A_233 = arith.select %and3A_231, %add3A_232, %rem3A_223 : i32
    %mul3A_234 = arith.constant 512 : i32
    %mul3A_235 = arith.muli %select_n3A_233, %mul3A_234 : i32
    %dma_start3A_236 = arith.constant 0 : i32
    %dma_start3A_237 = tpu.memref_slice %arg4[%dma_start3A_236, %mul3A_217, %mul3A_235] : memref<10x200x16384xf32, #tpu.memory_space<hbm>> -> memref<10x8x512xf32, #tpu.memory_space<hbm>>
    %dma_start3A_238 = arith.constant 0 : i32
    %dma_start3A_239 = tpu.memref_slice %arg4[%dma_start3A_238, %mul3A_217, %mul3A_235] : memref<10x200x16384xf32, #tpu.memory_space<hbm>> -> memref<10x8x512xf32, #tpu.memory_space<hbm>>
    tpu.enqueue_dma source(%arg8 : memref<10x8x512xf32, #tpu.memory_space<vmem>>) target(%dma_start3A_239 : memref<10x8x512xf32, #tpu.memory_space<hbm>>) target_semaphore(%arg12 : memref<!tpu.dma_semaphore, #tpu.memory_space<semaphore_mem>>)
    %sub3A_240 = arith.constant 1 : i32
    %sub3A_241 = arith.subi %sub3A_94, %sub3A_240 : i32
    %jit3A_242 = arith.constant 32 : i32
    %div3A_243 = arith.divsi %sub3A_241, %jit3A_242 : i32
    %sign3A_244 = arith.constant 0 : i32
    %sign3A_245 = arith.cmpi sgt, %sub3A_241, %sign3A_244 : i32
    %sign3A_246 = arith.extui %sign3A_245 : i1 to i32
    %sign3A_247 = arith.constant 0 : i32
    %sign3A_248 = arith.cmpi slt, %sub3A_241, %sign3A_247 : i32
    %sign3A_249 = arith.extui %sign3A_248 : i1 to i32
    %sign3A_250 = arith.subi %sign3A_246, %sign3A_249 : i32
    %sign3A_251 = arith.constant 0 : i32
    %sign3A_252 = arith.cmpi sgt, %jit3A_242, %sign3A_251 : i32
    %sign3A_253 = arith.extui %sign3A_252 : i1 to i32
    %sign3A_254 = arith.constant 0 : i32
    %sign3A_255 = arith.cmpi slt, %jit3A_242, %sign3A_254 : i32
    %sign3A_256 = arith.extui %sign3A_255 : i1 to i32
    %sign3A_257 = arith.subi %sign3A_253, %sign3A_256 : i32
    %ne3A_258 = arith.cmpi ne, %sign3A_250, %sign3A_257 : i32
    %rem3A_259 = arith.remsi %sub3A_241, %jit3A_242 : i32
    %ne3A_260 = arith.constant 0 : i32
    %ne3A_261 = arith.cmpi ne, %rem3A_259, %ne3A_260 : i32
    %and3A_262 = arith.andi %ne3A_258, %ne3A_261 : i1
    %sub3A_263 = arith.constant 1 : i32
    %sub3A_264 = arith.subi %div3A_243, %sub3A_263 : i32
    %select_n3A_265 = arith.select %and3A_262, %sub3A_264, %div3A_243 : i32
    %mul3A_266 = arith.constant 8 : i32
    %mul3A_267 = arith.muli %select_n3A_265, %mul3A_266 : i32
    %jit3A_268 = arith.constant 32 : i32
    %eq3A_269 = arith.constant 0 : i32
    %eq3A_270 = arith.cmpi eq, %jit3A_268, %eq3A_269 : i32
    %jit3A_271 = arith.constant 1 : i32
    %select_n3A_272 = arith.select %eq3A_270, %jit3A_271, %jit3A_268 : i32
    %rem3A_273 = arith.remsi %sub3A_241, %select_n3A_272 : i32
    %ne3A_274 = arith.constant 0 : i32
    %ne3A_275 = arith.cmpi ne, %rem3A_273, %ne3A_274 : i32
    %lt3A_276 = arith.constant 0 : i32
    %lt3A_277 = arith.cmpi slt, %rem3A_273, %lt3A_276 : i32
    %lt3A_278 = arith.constant 0 : i32
    %lt3A_279 = arith.cmpi slt, %select_n3A_272, %lt3A_278 : i32
    %ne3A_280 = arith.xori %lt3A_277, %lt3A_279 : i1
    %and3A_281 = arith.andi %ne3A_280, %ne3A_275 : i1
    %add3A_282 = arith.addi %rem3A_273, %select_n3A_272 : i32
    %select_n3A_283 = arith.select %and3A_281, %add3A_282, %rem3A_273 : i32
    %mul3A_284 = arith.constant 512 : i32
    %mul3A_285 = arith.muli %select_n3A_283, %mul3A_284 : i32
    %dma_wait3A_286 = arith.constant 0 : i32
    %dma_wait3A_287 = tpu.memref_slice %arg4[%dma_wait3A_286, %mul3A_267, %mul3A_285] : memref<10x200x16384xf32, #tpu.memory_space<hbm>> -> memref<10x8x512xf32, #tpu.memory_space<hbm>>
    %dma_wait3A_288 = arith.constant 0 : i32
    %dma_wait3A_289 = tpu.memref_slice %arg4[%dma_wait3A_288, %mul3A_267, %mul3A_285] : memref<10x200x16384xf32, #tpu.memory_space<hbm>> -> memref<10x8x512xf32, #tpu.memory_space<hbm>>
    tpu.wait_dma2 semaphore(%arg13 : memref<!tpu.dma_semaphore, #tpu.memory_space<semaphore_mem>>) src(%arg9 : memref<10x8x512xf32, #tpu.memory_space<vmem>>) dst(%dma_wait3A_289 : memref<10x8x512xf32, #tpu.memory_space<hbm>>)
    %jit3A_290 = arith.constant 32 : i32
    %div3A_291 = arith.divsi %sub3A_94, %jit3A_290 : i32
    %sign3A_292 = arith.constant 0 : i32
    %sign3A_293 = arith.cmpi sgt, %sub3A_94, %sign3A_292 : i32
    %sign3A_294 = arith.extui %sign3A_293 : i1 to i32
    %sign3A_295 = arith.constant 0 : i32
    %sign3A_296 = arith.cmpi slt, %sub3A_94, %sign3A_295 : i32
    %sign3A_297 = arith.extui %sign3A_296 : i1 to i32
    %sign3A_298 = arith.subi %sign3A_294, %sign3A_297 : i32
    %sign3A_299 = arith.constant 0 : i32
    %sign3A_300 = arith.cmpi sgt, %jit3A_290, %sign3A_299 : i32
    %sign3A_301 = arith.extui %sign3A_300 : i1 to i32
    %sign3A_302 = arith.constant 0 : i32
    %sign3A_303 = arith.cmpi slt, %jit3A_290, %sign3A_302 : i32
    %sign3A_304 = arith.extui %sign3A_303 : i1 to i32
    %sign3A_305 = arith.subi %sign3A_301, %sign3A_304 : i32
    %ne3A_306 = arith.cmpi ne, %sign3A_298, %sign3A_305 : i32
    %rem3A_307 = arith.remsi %sub3A_94, %jit3A_290 : i32
    %ne3A_308 = arith.constant 0 : i32
    %ne3A_309 = arith.cmpi ne, %rem3A_307, %ne3A_308 : i32
    %and3A_310 = arith.andi %ne3A_306, %ne3A_309 : i1
    %sub3A_311 = arith.constant 1 : i32
    %sub3A_312 = arith.subi %div3A_291, %sub3A_311 : i32
    %select_n3A_313 = arith.select %and3A_310, %sub3A_312, %div3A_291 : i32
    %mul3A_314 = arith.constant 8 : i32
    %mul3A_315 = arith.muli %select_n3A_313, %mul3A_314 : i32
    %jit3A_316 = arith.constant 32 : i32
    %eq3A_317 = arith.constant 0 : i32
    %eq3A_318 = arith.cmpi eq, %jit3A_316, %eq3A_317 : i32
    %jit3A_319 = arith.constant 1 : i32
    %select_n3A_320 = arith.select %eq3A_318, %jit3A_319, %jit3A_316 : i32
    %rem3A_321 = arith.remsi %sub3A_94, %select_n3A_320 : i32
    %ne3A_322 = arith.constant 0 : i32
    %ne3A_323 = arith.cmpi ne, %rem3A_321, %ne3A_322 : i32
    %lt3A_324 = arith.constant 0 : i32
    %lt3A_325 = arith.cmpi slt, %rem3A_321, %lt3A_324 : i32
    %lt3A_326 = arith.constant 0 : i32
    %lt3A_327 = arith.cmpi slt, %select_n3A_320, %lt3A_326 : i32
    %ne3A_328 = arith.xori %lt3A_325, %lt3A_327 : i1
    %and3A_329 = arith.andi %ne3A_328, %ne3A_323 : i1
    %add3A_330 = arith.addi %rem3A_321, %select_n3A_320 : i32
    %select_n3A_331 = arith.select %and3A_329, %add3A_330, %rem3A_321 : i32
    %mul3A_332 = arith.constant 512 : i32
    %mul3A_333 = arith.muli %select_n3A_331, %mul3A_332 : i32
    %dma_wait3A_334 = arith.constant 0 : i32
    %dma_wait3A_335 = tpu.memref_slice %arg4[%dma_wait3A_334, %mul3A_315, %mul3A_333] : memref<10x200x16384xf32, #tpu.memory_space<hbm>> -> memref<10x8x512xf32, #tpu.memory_space<hbm>>
    %dma_wait3A_336 = arith.constant 0 : i32
    %dma_wait3A_337 = tpu.memref_slice %arg4[%dma_wait3A_336, %mul3A_315, %mul3A_333] : memref<10x200x16384xf32, #tpu.memory_space<hbm>> -> memref<10x8x512xf32, #tpu.memory_space<hbm>>
    tpu.wait_dma2 semaphore(%arg12 : memref<!tpu.dma_semaphore, #tpu.memory_space<semaphore_mem>>) src(%arg8 : memref<10x8x512xf32, #tpu.memory_space<vmem>>) dst(%dma_wait3A_337 : memref<10x8x512xf32, #tpu.memory_space<hbm>>)
    return
  }
}

</mosaic_0001>

<sc_bundles>
// kernel: kernel.3.cloned.1.call-start
scs
__scs_entry_jumppad:
0x0: {  	(pc) =	sbr.rel $0x88, $3  }
0x1: {  	(tag) =	ssettag $0x0;
	lr =	simm.s32 $0x1  }
0x2: {  	[smem:$0x3F9F] =	sst lr;
	_ =	strace $0xD0000000  }
0x3: {  	_ = 	snop  }
0x4: {  	_ = 	snop  }
0x5: {  	_ = 	snop  }
0x6: {  	_ = 	snop  }
0x7: {  	_ = 	snop  }
__scs_overlays_trampoline_lowered:
0x8: {  	[smem:$0x3FAE] =	sst s0  }
0x9: {  	[smem:$0x3FAF] =	sst s1  }
0xa: {  	[smem:$0x3FB0] =	sst s2  }
0xb: {  	[smem:$0x3FB1] =	sst s3  }
0xc: {  	[smem:$0x3FB2] =	sst s4  }
0xd: {  	[smem:$0x3FB3] =	sst s5  }
0xe: {  	[smem:$0x3FB4] =	sst s6  }
0xf: {  	[smem:$0x3FB5] =	sst s7  }
0x10: {  	[smem:$0x3FB6] =	sst s8  }
0x11: {  	[smem:$0x3FB7] =	sst s9;
	s0 =	simm.s32 @!p0 $0x0  }
0x12: {  	s1 =	sld [smem:$0x3F9D];
	s0 =	simm.s32 @p0 $0x1  }
0x13: {  	[smem:$0x3FB8] =	sst s0;
	s0 =	simm.s32 @!p1 $0x0  }
0x14: {  	s2 =	sld [smem:$0x3F9C];
	s0 =	simm.s32 @p1 $0x1  }
0x15: {  	[smem:$0x3FB9] =	sst s0;
	s0 =	simm.s32 @!p2 $0x0  }
0x16: {  	s3 =	sld [smem:$0x3FDB];
	s0 =	simm.s32 @p2 $0x1  }
0x17: {  	s4 =	simm.s32 $0x1BF5;
	[smem:$0x3FBB] =	sst s0  }
0x18: {  	s0 =	sld [smem:$0x3F9E];
	_ =	swait.ge [sflag:s4], $0x0  }
0x19: {  	s7 =	sld [smem:$0x3F9F]  }
0x1a: {  	s8 =	sadd.s32 $0xFFFFE003, lr  }
0x1b: {  	s9 =	sadd.s32 $0xFFFFFEF7, lr;
	s5 =	simm.s32 $0xFFFFFFFF;
	p2 =	slt.u32 s8, $0xFFFFF086  }
0x1c: {  	p1 =	slt.u32 s9, $0xF7A;
	s5 =	simm.s32 @!p2 $0x0  }
0x1d: {  	s5 =	simm.s32 @p1 $0x1;
	p0 =	seq.s32 s7, s2  }
0x1e: {  	s7 =	smul.u32 @!p0 $0xF7A, s2;
	p2 =	seq.s32 @!p0 s5, $0x0  }
0x1f: {  	s9 =	smul.u32 $0xF7A, s1;
	s8 =	simm.s32 @!p0 $0x1BF5;
	p2 =	por !p2, p0  }
0x20: {  	[sflag:s8] =	ssyncset.s32 @!p0 $0xFFFFF086;
	s6 =	sadd.s32 @!p0 s3, s7;
	s7 =	simm.s32 @!p0 $0x108  }
0x21: {  	s3 =	sadd.s32 s3, s9;
	s6 =	sadd.s32 @!p0 $0x88, s6;
	s7 =	simm.s32 @p2 $0x1082  }
0x22: {  	[simem:s7], [sflag:s8] =	dma.local @!p0 [hbm:s6], $0xF7A  }
0x23: {  	s9 =	sor.u32 $0xD0000000, s2;
	s6 =	simm.s32 $0x108;
	_ =	swait.ge @!p0 [sflag:s8], $0x0  }
0x24: {  	s3 =	sadd.s32 $0x88, s3;
	s6 =	simm.s32 @!p1 $0x1082;
	[sflag:s4] =	ssyncset.s32 $0xFFFFF086  }
0x25: {  	[simem:s6], [sflag:s4] =	dma.local [hbm:s3], $0xF7A  }
0x26: {  	[smem:$0x3F9F] =	sst s1;
	(tag) =	ssettag s2;
	_ =	strace s9  }
0x27: {  	s1 =	sld [smem:$0x3FAF]  }
0x28: {  	s2 =	sld [smem:$0x3FB0]  }
0x29: {  	s4 =	sld [smem:$0x3FB2]  }
0x2a: {  	p0 =	seq.s32 s5, $0x0;
	s5 =	sld [smem:$0x3FB3]  }
0x2b: {  	s6 =	sld [smem:$0x3FB4]  }
0x2c: {  	s7 =	sld [smem:$0x3FB5]  }
0x2d: {  	s3 =	simm.s32 $0x108;
	s8 =	sld [smem:$0x3FB6]  }
0x2e: {  	s3 =	simm.s32 @!p0 $0x1082;
	s9 =	sld [smem:$0x3FB7]  }
0x2f: {  	lr =	sadd.s32 s0, s3;
	s0 =	sld [smem:$0x3FAE]  }
0x30: {  	s3 =	sld [smem:$0x3FB1]  }
0x31: {  	[smem:$0x3FBA] =	sst s10  }
0x32: {  	s10 =	sld [smem:$0x3FB8];
	_ =	sdelay $0x3  }
0x33: {  	p0 =	seq.s32 s10, $0x1;
	s10 =	sld [smem:$0x3FBA];
	_ =	sdelay $0x3  }
0x34: {  	[smem:$0x3FBA] =	sst s10  }
0x35: {  	s10 =	sld [smem:$0x3FB9];
	_ =	sdelay $0x3  }
0x36: {  	p1 =	seq.s32 s10, $0x1;
	s10 =	sld [smem:$0x3FBA];
	_ =	sdelay $0x3  }
0x37: {  	[smem:$0x3FBA] =	sst s10  }
0x38: {  	s10 =	sld [smem:$0x3FBB]  }
0x39: {  	_ = 	snop;
	(pc) =	sbr.ind lr, $3  }
0x3a: {  	_ = 	snop  }
0x3b: {  	_ = 	snop  }
0x3c: {  	p2 =	seq.s32 s10, $0x1;
	s10 =	sld [smem:$0x3FBA]  }
0x3d: {  	_ =	shalt  }
0x3e: {  	_ =	shalt  }
0x3f: {  	_ =	shalt  }
0x40: {  	_ =	shalt  }
0x41: {  	_ =	shalt  }
0x42: {  	_ =	shalt  }
0x43: {  	_ =	shalt  }
0x44: {  	_ =	shalt  }
0x45: {  	_ =	shalt  }
0x46: {  	_ =	shalt  }
0x47: {  	_ =	shalt  }
0x48: {  	_ =	shalt  }
0x49: {  	_ =	shalt  }
0x4a: {  	_ =	shalt  }
0x4b: {  	_ =	shalt  }
0x4c: {  	_ =	shalt  }
0x4d: {  	_ =	shalt  }
0x4e: {  	_ =	shalt  }
0x4f: {  	_ =	shalt  }
0x50: {  	_ =	shalt  }
0x51: {  	_ =	shalt  }
0x52: {  	_ =	shalt  }
0x53: {  	_ =	shalt  }
0x54: {  	_ =	shalt  }
0x55: {  	_ =	shalt  }
0x56: {  	_ =	shalt  }
0x57: {  	_ =	shalt  }
0x58: {  	_ =	shalt  }
0x59: {  	_ =	shalt  }
0x5a: {  	_ =	shalt  }
0x5b: {  	_ =	shalt  }
0x5c: {  	_ =	shalt  }
0x5d: {  	_ =	shalt  }
0x5e: {  	_ =	shalt  }
0x5f: {  	_ =	shalt  }
0x60: {  	_ =	shalt  }
0x61: {  	_ =	shalt  }
0x62: {  	_ =	shalt  }
0x63: {  	_ =	shalt  }
0x64: {  	_ =	shalt  }
0x65: {  	_ =	shalt  }
0x66: {  	_ =	shalt  }
0x67: {  	_ =	shalt  }
0x68: {  	_ =	shalt  }
0x69: {  	_ =	shalt  }
0x6a: {  	_ =	shalt  }
0x6b: {  	_ =	shalt  }
0x6c: {  	_ =	shalt  }
0x6d: {  	_ =	shalt  }
0x6e: {  	_ =	shalt  }
0x6f: {  	_ =	shalt  }
0x70: {  	_ =	shalt  }
0x71: {  	_ =	shalt  }
0x72: {  	_ =	shalt  }
0x73: {  	_ =	shalt  }
0x74: {  	_ =	shalt  }
0x75: {  	_ =	shalt  }
0x76: {  	_ =	shalt  }
0x77: {  	_ =	shalt  }
0x78: {  	_ =	shalt  }
0x79: {  	_ =	shalt  }
0x7a: {  	_ =	shalt  }
0x7b: {  	_ =	shalt  }
0x7c: {  	_ =	shalt  }
0x7d: {  	_ =	shalt  }
0x7e: {  	_ =	shalt  }
0x7f: {  	_ =	shalt  }
0x80: {  	_ =	shalt  }
0x81: {  	_ =	shalt  }
0x82: {  	_ =	shalt  }
0x83: {  	_ =	shalt  }
0x84: {  	_ =	shalt  }
0x85: {  	_ =	shalt  }
0x86: {  	_ =	shalt  }
0x87: {  	_ =	shalt  }
.Lfunc_end0:
.L_simem_size_0:
called_computation_lowered:
.L_overlay_start_0:
0x88: {  	s2 =	sld [smem:$0x3FD9]  }
0x89: {  	s3 =	sld [smem:$0x3FFE];
	_ =	sdelay $0x1  }
0x8a: {  	s1 =	srdreg.scid  }
0x8b: {  	s0 =	sand.u32 $0x1, s1  }
0x8c: {  	s17 =	sshll.u32 s0, $0xA;
	s2 =	sadd.s32 s3, s2  }
0x8d: {  	s2 =	sadd.s32 s2, s17  }
0x8e: {  	[smem:$0x3FC6] =	sst s2  }
0x8f: {  	_ = 	snop  }
0x90: {  	s2 =	sld [smem:$0x3FC9]  }
0x91: {  	s18 =	sld [smem:$0x3FD0];
	(tm) =	ssettm $0x1  }
0x92: {  	s4 =	sld [smem:$0x3FFB];
	_ =	sdelay $0x3  }
0x93: {  	_ =	strace s4  }
0x94: {  	s4 =	sld [smem:$0x3FFC];
	_ =	sdelay $0x3  }
0x95: {  	_ =	strace s4  }
0x96: {  	s4 =	sld [smem:$0x3FFD];
	_ =	sdelay $0x3  }
0x97: {  	_ =	strace s4  }
0x98: {  	_ =	strace $0x8FFFFFFF  }
0x99: {  	s19 =	sld [smem:$0x3FDB];
	_ =	sdelay $0x1  }
0x9a: {  	s5 =	simm.s32 $_scs_section_size  }
0x9b: {  	s6 =	simm.s32 $_size__tile_overlayer_lowered;
	s7 =	simm.s32 $_tile_overlayer_lowered  }
0x9c: {  	s22 =	simm.s32 $0x1BFF;
	s21 =	sshll.u32 s7, $0x1;
	s4 =	sadd.s32 s5, s19  }
0x9d: {  	s8 =	simm.s32 $0x0;
	s20 =	sshll.u32 s6, $0x1;
	s6 =	sadd.s32 s21, s4  }
0x9e: {  	[timem:s8], [sflag:s22] =	dma.local [hbm:s6], s20  }
0x9f: {  	_ =	swait.ge [sflag:s22], s20  }
0xa0: {  	s5 =	ssub.s32 $0x0, s20;
	[sflag:s22] =	ssyncset.done $0x0  }
0xa1: {  	[sflag:s22] =	ssyncadd.s32 s5;
	_ =	sdelay $0x1  }
0xa2: {  	s23 =	simm.s32 $0x1B8B  }
0xa3: {  	_ =	swait.ge [sflag:s23], $0x1  }
0xa4: {  	[sflag:s23] =	ssyncset.done $0x0  }
0xa5: {  	s25 =	simm.s32 $0x1B8E;
	s24 =	sld [smem:$0x3FFE];
	[sflag:s23] =	ssyncadd.s32 $0xFFFFFFFF  }
0xa6: {  	s26 =	simm.s32 $execute0_lowered;
	[smem:$0x3FD2] =	sst s25  }
0xa7: {  	s6 =	sshll.u32 s26, $0x1;
	_ =	strace $0x80000046;
	[dreg:$0x1] =	wrdreg $0xFFFFFFFF  }
0xa8: {  	s28 =	simm.s32 $_size_execute0_lowered;
	s4 =	sadd.s32 s4, s6;
	[dreg:$0x0] =	wrdreg $0x0  }
0xa9: {  	s6 =	sshll.u32 s28, $0x1;
	[dreg:$0x2] =	wrdreg s4  }
0xaa: {  	[dreg:$0x3] =	wrdreg s6  }
0xab: {  	[dreg:$0x4] =	wrdreg $0xC0  }
0xac: {  	_ =	task [dreg:s8], $0x5FFFF  }
0xad: {  	[dreg:$0x1] =	wrdreg $0xFFFFFFFF  }
0xae: {  	[dreg:$0x0] =	wrdreg $0x60  }
0xaf: {  	[dreg:$0x2] =	wrdreg s2  }
0xb0: {  	[dreg:$0x3] =	wrdreg s24  }
0xb1: {  	[dreg:$0x4] =	wrdreg s18  }
0xb2: {  	[dreg:$0x5] =	wrdreg $0x9  }
0xb3: {  	_ =	task.clear_ibuf [dreg:s8], $0x6FFFF;
	_ =	strace $0x90000046  }
0xb4: {  	s29 =	simm.s32 $0x9;
	_ =	strace $0x80000048  }
0xb5: {  	_ =	swait.ge [sflag:s29], $0x1  }
0xb6: {  	[sflag:s29] =	ssyncadd.s32 $0xFFFFFFFF  }
0xb7: {  	_ =	strace $0x90000048  }
0xb8: {  	_ =	sfence  }
0xb9: {  	s30 =	sld [smem:$0x0];
	_ =	sdelay $0x2  }
0xba: {  	s31 =	sshll.u32 s1, $0xD;
	s1 =	sshrl.u32 s1, $0x2  }
0xbb: {  	s3 =	sand.u32 $0x4000, s31;
	s1 =	sadd.s32 s1, s30  }
0xbc: {  	s0 =	sor.u32 s3, s0;
	s1 =	sshll.u32 s1, $0x11  }
0xbd: {  	s0 =	sor.u32 s1, s0  }
0xbe: {  	s0 =	sadd.s32 $0x8F2B, s0  }
0xbf: {  	[sflag:s0] =	ssyncadd.remote.s32 $0x1  }
0xc0: {  	_ =	sfence.sel $0xFFFF  }
0xc1: {  	[dreg:$0x0] =	wrdreg $0xFFFFFFFF;
	(pc) =	sbr.abs _section_cstart, $3  }
0xc2: {  	[dreg:$0x1] =	wrdreg $0xFFFFFFFF  }
0xc3: {  	_ =	task.clear_ibuf [dreg:s8], $0x2FFFF;
	_ =	strace $0x9FFFFFFF  }
0xc4: {  	(tm) =	ssettm $0x7FFFFFFF  }
0xc5: {  	_ =	shalt  }
tec
execute0_lowered:
.L_overlay_start_1:
0x0: {  	(tag) =	ssettag $0x1  }
0x1: {  	s0 =	rddreg [dreg:$0x0]  }
0x2: {  	s1 =	rddreg [dreg:$0x1];
	s3 =	srdreg.scid  }
0x3: {  	s5 =	stileid.u32;
	s2 =	rddreg [dreg:$0x2]  }
0x4: {  	s13 =	simm.s32 $0x5;
	s14 =	simm.s32 $0x400;
	s15 =	simm.s32 $0x1400  }
0x5: {  	s16 =	simm.s32 $0x1;
	s17 =	simm.s32 $0x1000;
	s18 =	simm.s32 $0x320000  }
0x6: {  	s19 =	simm.s32 $0x2400;
	s20 =	simm.s32 $0x2;
	s21 =	simm.s32 $0xC400  }
0x7: {  	s22 =	simm.s32 $0x3;
	s23 =	simm.s32 $0x4;
	s24 =	simm.s32 $0x0  }
0x8: {  	s4 =	sand.u32 $0x1, s3;
	s5 =	sshll.u32 s5, $0x1;
	s3 =	simm.s32 $0x0  }
0x9: {  	s1 =	sadd.s32 $0x400, s1;
	s10 =	sadd.s32 $0x400, s0;
	s5 =	sor.u32 s4, s5  }
0xa: {  	s11 =	sadd.s32 $0x200, s2;
	s12 =	sadd.s32 $0x600, s0;
	s7 =	smul.u32 $0x19000, s5  }
0xb: {  	[smem:$0x7FF] =	sst s3;
	s6 =	ssub.s32 $0x2, s4;
	s4 =	smul.u32 $0x3200, s5  }
0xc: {  	_ =	strace $0x80000047;
	s8 =	sshrl.u32 s6, $0x1;
	[dreg:$0x4] =	wrdreg s1  }
0xd: {  	s30 =	ssub.s32 s6, s8;
	s7 =	sshrl.u32 s7, $0x3;
	s5 =	sadd.s32 s0, s4  }
0xe: {  	[dreg:$0x5] =	wrdreg s5;
	s31 =	sadd.s32 s0, s7;
	s9 =	sadd.s32 s2, s7  }
0xf: {  	s7 =	sadd.s32 $0x200, s31;
	s8 =	sadd.s32 $0x3000, s9;
	s9 =	smax.u32 s30, $0x1  }
.LBB2_1:
0x10: {  	s0 =	rddreg [dreg:$0x4]  }
0x11: {  	[tilespmem:s3], [sflag:$0x5] =	stream.linear.gather [hbm4b:s0+s3], $0x400, $0x38;
	[tilespmem:$0x16400] =	vst v63  }
0x12: {  	_ =	swait.ge [sflag:s13], $0x400  }
0x13: {  	[sflag:s13] =	ssyncset.done $0x0  }
0x14: {  	s31 =	rddreg [dreg:$0x5];
	[sflag:s13] =	ssyncadd.s32 $0xFFFFFC00  }
0x15: {  	[tilespmem:s14], [sflag:$0x1] =	stream.linear.gather [hbm4b:s31+s3], $0x1000, $0x38;
	[tilespmem:$0x16400] =	vst v63  }
0x16: {  	s25 =	simm.s32 $0x0  }
0x17: {  	[tilespmem:s15], [sflag:$0x2] =	stream.linear.gather [hbm4b:s7+s3], $0x1000, $0x38;
	[tilespmem:$0x16400] =	vst v63  }
.LBB2_2:
0x18: {  	_ =	swait.ge [sflag:s16], $0x1000  }
0x19: {  	p0 =	seq.s32 s25, $0x0;
	s26 =	simm.s32 $0x0;
	[sflag:s16] =	ssyncset.done $0x0  }
0x1a: {  	s0 =	simm.s32 @!p0 $0x3;
	s1 =	sand.u32 $0x3, s26;
	[sflag:s16] =	ssyncadd.s32 $0xFFFFF000  }
0x1b: {  	s1 =	sshll.u32 s1, $0xA;
	_ =	swait.ge @!p0 [sflag:s0], $0xA000  }
0x1c: {  	s1 =	sadd.s32 $0x0, s1;
	[sflag:s0] =	ssyncset.done @!p0 $0x0  }
0x1d: {  	s5 =	sor.u32 $0x70, s1;
	[sflag:s0] =	ssyncadd.s32 @!p0 $0xFFFF6000  }
0x1e: {  	v1 =	vld [tilespmem:s5+$0x400]  }
0x1f: {  	s1 =	sor.u32 $0x60, s1  }
0x20: {  	v0 =	vld [tilespmem:s1+$0x400];
	_ =	sdelay $0x2  }
0x21: {  	s6 =	sand.u32 $0xC00, s26;
	s31 =	sand.u32 $0x380, s26  }
0x22: {  	s28 =	sor.u32 s31, s6  }
0x23: {  	v6 =	vld [tilespmem:s28+$0x420]  }
0x24: {  	v2 =	vld.idx.msk [tilespmem:v1+s3+$0x0], $0xffff  }
0x25: {  	v3 =	vadd.s32 $0x64, v1  }
0x26: {  	v4 =	vld.idx.msk [tilespmem:v0+s3+$0x0], $0xffff  }
0x27: {  	v5 =	vadd.s32 $0x64, v0;
	_ =	sdelay $0x1  }
0x28: {  	[tilespmem:s5+$0x2400] =	vst v2  }
0x29: {  	v2 =	vld.idx.msk [tilespmem:v3+s3+$0x0], $0xffff  }
0x2a: {  	v14 =	vld.idx.msk [tilespmem:v6+s3+$0x0], $0xffff;
	[tilespmem:s1+$0x2400] =	vst v4;
	v3 =	vadd.s32 $0xC8, v1  }
0x2b: {  	v4 =	vld.idx.msk [tilespmem:v5+s3+$0x0], $0xffff  }
0x2c: {  	v5 =	vld [tilespmem:s28+$0x410]  }
0x2d: {  	v7 =	vld [tilespmem:s28+$0x400];
	v17 =	vadd.s32 $0x64, v6  }
0x2e: {  	v9 =	vadd.s32 $0xC8, v0;
	[tilespmem:s28+$0x3470] =	vst v2;
	v2 =	vld [tilespmem:s28+$0x430]  }
0x2f: {  	v8 =	vld.idx.msk [tilespmem:v3+s3+$0x0], $0xffff  }
0x30: {  	v10 =	vadd.s32 $0x12C, v1;
	[tilespmem:s28+$0x3460] =	vst v4;
	v4 =	vld [tilespmem:s28+$0x450]  }
0x31: {  	[tilespmem:s28+$0x2420] =	vst v14;
	v3 =	vld [tilespmem:s28+$0x440]  }
0x32: {  	v17 =	vld.idx.msk [tilespmem:v17+s3+$0x0], $0xffff  }
0x33: {  	v9 =	vld.idx.msk [tilespmem:v9+s3+$0x0], $0xffff  }
0x34: {  	v11 =	vld.idx.msk [tilespmem:v5+s3+$0x0], $0xffff;
	[tilespmem:s28+$0x4470] =	vst v8  }
0x35: {  	v15 =	vadd.s32 $0x64, v5;
	v8 =	vld.idx.msk [tilespmem:v10+s3+$0x0], $0xffff  }
0x36: {  	v12 =	vadd.s32 $0x190, v1;
	v10 =	vld.idx.msk [tilespmem:v7+s3+$0x0], $0xffff  }
0x37: {  	v16 =	vld.idx.msk [tilespmem:v2+s3+$0x0], $0xffff  }
0x38: {  	v13 =	vadd.s32 $0x64, v7;
	[tilespmem:s28+$0x4460] =	vst v9;
	v19 =	vld.idx.msk [tilespmem:v4+s3+$0x0], $0xffff  }
0x39: {  	v9 =	vadd.s32 $0x64, v2;
	[tilespmem:s28+$0x2410] =	vst v11;
	v18 =	vld.idx.msk [tilespmem:v3+s3+$0x0], $0xffff  }
0x3a: {  	v11 =	vld.idx.msk [tilespmem:v15+s3+$0x0], $0xffff;
	[tilespmem:s28+$0x5470] =	vst v8;
	v8 =	vadd.s32 $0x64, v3  }
0x3b: {  	[tilespmem:s28+$0x2400] =	vst v10;
	v10 =	vld.idx.msk [tilespmem:v12+s3+$0x0], $0xffff;
	v12 =	vadd.s32 $0x64, v4  }
0x3c: {  	[tilespmem:s28+$0x2430] =	vst v16;
	v16 =	vadd.s32 $0xC8, v5  }
0x3d: {  	v14 =	vadd.s32 $0x1F4, v1;
	[tilespmem:s28+$0x3420] =	vst v17;
	v13 =	vld.idx.msk [tilespmem:v13+s3+$0x0], $0xffff  }
0x3e: {  	v15 =	vadd.s32 $0xC8, v7;
	v9 =	vld.idx.msk [tilespmem:v9+s3+$0x0], $0xffff;
	[tilespmem:s28+$0x2440] =	vst v18  }
0x3f: {  	[tilespmem:s28+$0x2450] =	vst v19;
	v18 =	vadd.s32 $0xC8, v6;
	v8 =	vld.idx.msk [tilespmem:v8+s3+$0x0], $0xffff  }
0x40: {  	v19 =	vadd.s32 $0xC8, v2;
	[tilespmem:s28+$0x3410] =	vst v11;
	v12 =	vld.idx.msk [tilespmem:v12+s3+$0x0], $0xffff  }
0x41: {  	[tilespmem:s28+$0x6470] =	vst v10;
	v10 =	vadd.s32 $0xC8, v3;
	v11 =	vld.idx.msk [tilespmem:v16+s3+$0x0], $0xffff  }
0x42: {  	v17 =	vadd.s32 $0x12C, v0;
	[tilespmem:s28+$0x3400] =	vst v13;
	v13 =	vld.idx.msk [tilespmem:v14+s3+$0x0], $0xffff  }
0x43: {  	v14 =	vadd.s32 $0xC8, v4;
	v15 =	vld.idx.msk [tilespmem:v15+s3+$0x0], $0xffff  }
0x44: {  	v16 =	vadd.s32 $0x258, v1;
	v18 =	vld.idx.msk [tilespmem:v18+s3+$0x0], $0xffff;
	[tilespmem:s28+$0x3430] =	vst v9  }
0x45: {  	v9 =	vadd.s32 $0x12C, v7;
	v19 =	vld.idx.msk [tilespmem:v19+s3+$0x0], $0xffff;
	[tilespmem:s28+$0x3440] =	vst v8  }
0x46: {  	v8 =	vadd.s32 $0x12C, v5;
	v10 =	vld.idx.msk [tilespmem:v10+s3+$0x0], $0xffff;
	[tilespmem:s28+$0x3450] =	vst v12  }
0x47: {  	v12 =	vadd.s32 $0x12C, v6;
	[tilespmem:s28+$0x4410] =	vst v11;
	v11 =	vld.idx.msk [tilespmem:v17+s3+$0x0], $0xffff  }
0x48: {  	v14 =	vld.idx.msk [tilespmem:v14+s3+$0x0], $0xffff;
	[tilespmem:s28+$0x7470] =	vst v13;
	v13 =	vadd.s32 $0x12C, v2  }
0x49: {  	[tilespmem:s28+$0x4400] =	vst v15;
	v15 =	vld.idx.msk [tilespmem:v16+s3+$0x0], $0xffff;
	v16 =	vadd.s32 $0x12C, v3  }
0x4a: {  	[tilespmem:s28+$0x4420] =	vst v18;
	v18 =	vadd.s32 $0x12C, v4;
	v9 =	vld.idx.msk [tilespmem:v9+s3+$0x0], $0xffff  }
0x4b: {  	v17 =	vadd.s32 $0x2BC, v1;
	[tilespmem:s28+$0x4430] =	vst v19;
	v8 =	vld.idx.msk [tilespmem:v8+s3+$0x0], $0xffff  }
0x4c: {  	v19 =	vadd.s32 $0x190, v0;
	v12 =	vld.idx.msk [tilespmem:v12+s3+$0x0], $0xffff;
	[tilespmem:s28+$0x4440] =	vst v10  }
0x4d: {  	v10 =	vadd.s32 $0x190, v7;
	v13 =	vld.idx.msk [tilespmem:v13+s3+$0x0], $0xffff;
	[tilespmem:s28+$0x4450] =	vst v14  }
0x4e: {  	v14 =	vadd.s32 $0x190, v5;
	v16 =	vld.idx.msk [tilespmem:v16+s3+$0x0], $0xffff;
	[tilespmem:s28+$0x8470] =	vst v15  }
0x4f: {  	v15 =	vadd.s32 $0x190, v6;
	[tilespmem:s28+$0x5400] =	vst v9;
	v9 =	vld.idx.msk [tilespmem:v18+s3+$0x0], $0xffff  }
0x50: {  	[tilespmem:s28+$0x5460] =	vst v11;
	v11 =	vld.idx.msk [tilespmem:v17+s3+$0x0], $0xffff;
	v17 =	vadd.s32 $0x190, v2  }
0x51: {  	v18 =	vadd.s32 $0x320, v1;
	[tilespmem:s28+$0x5410] =	vst v8;
	v8 =	vld.idx.msk [tilespmem:v19+s3+$0x0], $0xffff  }
0x52: {  	v19 =	vadd.s32 $0x190, v3;
	v10 =	vld.idx.msk [tilespmem:v10+s3+$0x0], $0xffff;
	[tilespmem:s28+$0x5420] =	vst v12  }
0x53: {  	v12 =	vadd.s32 $0x190, v4;
	v14 =	vld.idx.msk [tilespmem:v14+s3+$0x0], $0xffff;
	[tilespmem:s28+$0x5430] =	vst v13  }
0x54: {  	v13 =	vadd.s32 $0x1F4, v0;
	v15 =	vld.idx.msk [tilespmem:v15+s3+$0x0], $0xffff;
	[tilespmem:s28+$0x5440] =	vst v16  }
0x55: {  	v16 =	vadd.s32 $0x1F4, v7;
	v17 =	vld.idx.msk [tilespmem:v17+s3+$0x0], $0xffff;
	[tilespmem:s28+$0x9470] =	vst v11  }
0x56: {  	[tilespmem:s28+$0x5450] =	vst v9;
	v11 =	vadd.s32 $0x1F4, v5;
	v9 =	vld.idx.msk [tilespmem:v18+s3+$0x0], $0xffff  }
0x57: {  	v18 =	vadd.s32 $0x1F4, v6;
	v19 =	vld.idx.msk [tilespmem:v19+s3+$0x0], $0xffff;
	[tilespmem:s28+$0x6460] =	vst v8  }
0x58: {  	v1 =	vadd.s32 $0x384, v1;
	[tilespmem:s28+$0x6400] =	vst v10;
	v8 =	vld.idx.msk [tilespmem:v12+s3+$0x0], $0xffff  }
0x59: {  	v10 =	vadd.s32 $0x1F4, v2;
	[tilespmem:s28+$0x6410] =	vst v14;
	v12 =	vld.idx.msk [tilespmem:v13+s3+$0x0], $0xffff  }
0x5a: {  	v13 =	vadd.s32 $0x1F4, v3;
	v14 =	vld.idx.msk [tilespmem:v16+s3+$0x0], $0xffff;
	[tilespmem:s28+$0x6420] =	vst v15  }
0x5b: {  	v15 =	vadd.s32 $0x1F4, v4;
	v11 =	vld.idx.msk [tilespmem:v11+s3+$0x0], $0xffff;
	[tilespmem:s28+$0x6430] =	vst v17  }
0x5c: {  	v16 =	vadd.s32 $0x258, v0;
	v17 =	vld.idx.msk [tilespmem:v18+s3+$0x0], $0xffff;
	[tilespmem:s28+$0xA470] =	vst v9  }
0x5d: {  	v9 =	vadd.s32 $0x258, v7;
	[tilespmem:s28+$0x6440] =	vst v19;
	v18 =	vld.idx.msk [tilespmem:v1+s3+$0x0], $0xffff  }
0x5e: {  	v19 =	vadd.s32 $0x258, v5;
	v10 =	vld.idx.msk [tilespmem:v10+s3+$0x0], $0xffff;
	[tilespmem:s28+$0x6450] =	vst v8  }
0x5f: {  	v8 =	vadd.s32 $0x258, v6;
	v13 =	vld.idx.msk [tilespmem:v13+s3+$0x0], $0xffff;
	[tilespmem:s28+$0x7460] =	vst v12  }
0x60: {  	v12 =	vadd.s32 $0x258, v2;
	[tilespmem:s28+$0x7400] =	vst v14;
	v14 =	vld.idx.msk [tilespmem:v15+s3+$0x0], $0xffff  }
0x61: {  	v22 =	vadd.s32 $0x258, v3;
	v26 =	vld.idx.msk [tilespmem:v16+s3+$0x0], $0xffff;
	[tilespmem:s28+$0x7410] =	vst v11  }
0x62: {  	v24 =	vadd.s32 $0x258, v4;
	v27 =	vld.idx.msk [tilespmem:v9+s3+$0x0], $0xffff;
	[tilespmem:s28+$0x7420] =	vst v17  }
0x63: {  	v28 =	vadd.s32 $0x2BC, v0;
	v32 =	vadd.s32 $0x320, v0;
	v31 =	vadd.s32 $0x384, v0;
	v29 =	vld.idx.msk [tilespmem:v19+s3+$0x0], $0xffff;
	[tilespmem:s28+$0xB470] =	vst v18  }
0x64: {  	v30 =	vadd.s32 $0x2BC, v7;
	v23 =	vadd.s32 $0x2BC, v6;
	v25 =	vadd.s32 $0x2BC, v5;
	v11 =	vld.idx.msk [tilespmem:v8+s3+$0x0], $0xffff;
	[tilespmem:s28+$0x7430] =	vst v10  }
0x65: {  	v40 =	vadd.s32 $0x384, v5;
	v20 =	vadd.s32 $0x2BC, v2;
	v21 =	vadd.s32 $0x2BC, v3;
	v17 =	vld.idx.msk [tilespmem:v12+s3+$0x0], $0xffff;
	[tilespmem:s28+$0x7440] =	vst v13  }
0x66: {  	v15 =	vadd.s32 $0x320, v7;
	v16 =	vadd.s32 $0x320, v6;
	v19 =	vadd.s32 $0x2BC, v4;
	v22 =	vld.idx.msk [tilespmem:v22+s3+$0x0], $0xffff;
	[tilespmem:s28+$0x7450] =	vst v14  }
0x67: {  	v9 =	vadd.s32 $0x384, v7;
	v7 =	vadd.s32 $0x384, v6;
	v6 =	vadd.s32 $0x384, v3;
	[tilespmem:s28+$0x8460] =	vst v26;
	v24 =	vld.idx.msk [tilespmem:v24+s3+$0x0], $0xffff  }
0x68: {  	v18 =	vadd.s32 $0x320, v5;
	v8 =	vadd.s32 $0x384, v2;
	v5 =	vadd.s32 $0x384, v4;
	v26 =	vld.idx.msk [tilespmem:v28+s3+$0x0], $0xffff;
	[tilespmem:s28+$0x8400] =	vst v27  }
0x69: {  	s29 =	simm.s32 $0x0;
	s30 =	simm.s32 $0x1;
	s1 =	simm.s32 $0x0;
	v12 =	vadd.s32 $0x320, v3;
	v13 =	vadd.s32 $0x320, v4;
	v14 =	vadd.s32 $0x320, v2;
	[tilespmem:s28+$0x8410] =	vst v29;
	v2 =	vld.idx.msk [tilespmem:v30+s3+$0x0], $0xffff  }
.LBB2_3:
0x6a: {  	s0 =	sand.u32 $0x3, s30  }
0x6b: {  	s26 =	sadd.s32 $0x20, s26;
	s0 =	sshll.u32 s0, $0xA  }
0x6c: {  	s0 =	sadd.s32 s0, s26  }
0x6d: {  	v3 =	vld.idx.msk [tilespmem:v25+s3+$0x0], $0xffff;
	s31 =	sor.u32 $0x60, s0;
	s0 =	sor.u32 $0x70, s0  }
0x6e: {  	[tilespmem:s28+$0x8420] =	vst v11;
	v4 =	vld [tilespmem:s0+$0x400]  }
0x6f: {  	[tilespmem:s28+$0x8430] =	vst v17;
	v11 =	vld.idx.msk [tilespmem:v23+s3+$0x0], $0xffff  }
0x70: {  	[tilespmem:s28+$0x8440] =	vst v22;
	v17 =	vld.idx.msk [tilespmem:v20+s3+$0x0], $0xffff  }
0x71: {  	[tilespmem:s28+$0x9460] =	vst v26;
	v20 =	vld.idx.msk [tilespmem:v21+s3+$0x0], $0xffff  }
0x72: {  	[tilespmem:s28+$0x8450] =	vst v24;
	v21 =	vld [tilespmem:s31+$0x400]  }
0x73: {  	v19 =	vld.idx.msk [tilespmem:v19+s3+$0x0], $0xffff  }
0x74: {  	[tilespmem:s28+$0x9400] =	vst v2;
	v23 =	vld.idx.msk [tilespmem:v32+s3+$0x0], $0xffff  }
0x75: {  	[tilespmem:s28+$0x9410] =	vst v3;
	v15 =	vld.idx.msk [tilespmem:v15+s3+$0x0], $0xffff  }
0x76: {  	v18 =	vld.idx.msk [tilespmem:v18+s3+$0x0], $0xffff;
	[tilespmem:s28+$0x9420] =	vst v11  }
0x77: {  	[tilespmem:s28+$0x9430] =	vst v17;
	v16 =	vld.idx.msk [tilespmem:v16+s3+$0x0], $0xffff  }
0x78: {  	[tilespmem:s28+$0x9440] =	vst v20;
	v14 =	vld.idx.msk [tilespmem:v14+s3+$0x0], $0xffff  }
0x79: {  	[tilespmem:s28+$0x9450] =	vst v19;
	v12 =	vld.idx.msk [tilespmem:v12+s3+$0x0], $0xffff  }
0x7a: {  	v0 =	vadd.s32 $0x2BC, v21;
	[tilespmem:s28+$0xA400] =	vst v15;
	v13 =	vld.idx.msk [tilespmem:v13+s3+$0x0], $0xffff  }
0x7b: {  	[tilespmem:$0x1FFF0] =	vst v0;
	v9 =	vld.idx.msk [tilespmem:v9+s3+$0x0], $0xffff  }
0x7c: {  	[tilespmem:s28+$0xA410] =	vst v18;
	v26 =	vld.idx.msk [tilespmem:v4+s3+$0x0], $0xffff  }
0x7d: {  	v20 =	vadd.s32 $0x64, v21;
	v25 =	vadd.s32 $0xC8, v21;
	v22 =	vadd.s32 $0x12C, v21;
	v19 =	vld.idx.msk [tilespmem:v21+s3+$0x0], $0xffff;
	[tilespmem:s28+$0xA460] =	vst v23  }
0x7e: {  	v17 =	vadd.s32 $0x190, v21;
	v11 =	vadd.s32 $0x1F4, v21;
	v3 =	vadd.s32 $0x258, v21;
	v10 =	vld.idx.msk [tilespmem:v40+s3+$0x0], $0xffff;
	[tilespmem:s28+$0xA420] =	vst v16  }
0x7f: {  	v24 =	vadd.s32 $0x384, v21;
	v0 =	vadd.s32 $0x320, v21;
	v21 =	vadd.s32 $0x64, v4;
	v15 =	vld.idx.msk [tilespmem:v31+s3+$0x0], $0xffff;
	[tilespmem:s28+$0xA430] =	vst v14  }
0x80: {  	[tilespmem:s28+$0xA440] =	vst v12;
	v7 =	vld.idx.msk [tilespmem:v7+s3+$0x0], $0xffff  }
0x81: {  	[tilespmem:s28+$0xA450] =	vst v13;
	v8 =	vld.idx.msk [tilespmem:v8+s3+$0x0], $0xffff  }
0x82: {  	s1 =	sadd.s32 $0x400, s1;
	[tilespmem:s28+$0xB400] =	vst v9;
	v6 =	vld.idx.msk [tilespmem:v6+s3+$0x0], $0xffff  }
0x83: {  	s5 =	sand.u32 $0xC00, s1;
	s6 =	sand.u32 $0x380, s26;
	[tilespmem:s0+$0x2400] =	vst v26;
	v5 =	vld.idx.msk [tilespmem:v5+s3+$0x0], $0xffff  }
0x84: {  	s0 =	sor.u32 s6, s5;
	[tilespmem:s28+$0xB410] =	vst v10;
	v14 =	vld.idx.msk [tilespmem:v21+s3+$0x0], $0xffff  }
0x85: {  	v12 =	vadd.s32 $0xC8, v4;
	[tilespmem:s31+$0x2400] =	vst v19;
	v9 =	vld [tilespmem:s0+$0x400]  }
0x86: {  	v16 =	vld.idx.msk [tilespmem:v20+s3+$0x0], $0xffff;
	[tilespmem:s28+$0xB460] =	vst v15  }
0x87: {  	v40 =	vld [tilespmem:s0+$0x410];
	[tilespmem:s28+$0xB420] =	vst v7  }
0x88: {  	[tilespmem:s28+$0xB430] =	vst v8;
	v7 =	vld [tilespmem:s0+$0x420]  }
0x89: {  	[tilespmem:s0+$0x3470] =	vst v14;
	v8 =	vld [tilespmem:s0+$0x430]  }
0x8a: {  	[tilespmem:s28+$0xB440] =	vst v6;
	v10 =	vld.idx.msk [tilespmem:v12+s3+$0x0], $0xffff  }
0x8b: {  	[tilespmem:s28+$0xB450] =	vst v5;
	s28 =	smov.u32 s0;
	v43 =	vld [tilespmem:s0+$0x440];
	v12 =	vadd.s32 $0x12C, v4  }
0x8c: {  	v5 =	vld [tilespmem:s28+$0x450];
	[tilespmem:s0+$0x3460] =	vst v16  }
0x8d: {  	v14 =	vld.idx.msk [tilespmem:v25+s3+$0x0], $0xffff  }
0x8e: {  	v15 =	vld.idx.msk [tilespmem:v9+s3+$0x0], $0xffff  }
0x8f: {  	v18 =	vld.idx.msk [tilespmem:v40+s3+$0x0], $0xffff;
	[tilespmem:s28+$0x4470] =	vst v10  }
0x90: {  	v6 =	vadd.s32 $0x64, v9;
	v12 =	vld.idx.msk [tilespmem:v12+s3+$0x0], $0xffff  }
0x91: {  	v13 =	vadd.s32 $0x64, v40;
	v20 =	vld.idx.msk [tilespmem:v7+s3+$0x0], $0xffff  }
0x92: {  	[tilespmem:$0x1FFE0] =	vst v0;
	v19 =	vadd.s32 $0x190, v4;
	v21 =	vld.idx.msk [tilespmem:v8+s3+$0x0], $0xffff  }
0x93: {  	v10 =	vadd.s32 $0x64, v7;
	[tilespmem:s28+$0x4460] =	vst v14;
	v59 =	vld.idx.msk [tilespmem:v43+s3+$0x0], $0xffff  }
0x94: {  	v16 =	vadd.s32 $0x64, v8;
	v61 =	vld.idx.msk [tilespmem:v5+s3+$0x0], $0xffff;
	[tilespmem:s28+$0x2400] =	vst v15  }
0x95: {  	v50 =	vadd.s32 $0x64, v43;
	[tilespmem:s28+$0x2410] =	vst v18;
	v6 =	vld.idx.msk [tilespmem:v6+s3+$0x0], $0xffff  }
0x96: {  	v53 =	vadd.s32 $0x64, v5;
	v63 =	vld.idx.msk [tilespmem:v13+s3+$0x0], $0xffff;
	[tilespmem:s28+$0x5470] =	vst v12  }
0x97: {  	v41 =	vadd.s32 $0xC8, v9;
	v62 =	vld.idx.msk [tilespmem:v19+s3+$0x0], $0xffff;
	[tilespmem:s28+$0x2420] =	vst v20  }
0x98: {  	v44 =	vadd.s32 $0xC8, v40;
	[tilespmem:s28+$0x2430] =	vst v21;
	v1 =	vld.idx.msk [tilespmem:v10+s3+$0x0], $0xffff  }
0x99: {  	v0 =	vadd.s32 $0x1F4, v4;
	[tilespmem:s28+$0x2440] =	vst v59;
	v10 =	vld.idx.msk [tilespmem:v16+s3+$0x0], $0xffff  }
0x9a: {  	v46 =	vadd.s32 $0xC8, v7;
	[tilespmem:s28+$0x2450] =	vst v61;
	v50 =	vld.idx.msk [tilespmem:v50+s3+$0x0], $0xffff  }
0x9b: {  	v48 =	vadd.s32 $0xC8, v8;
	v53 =	vld.idx.msk [tilespmem:v53+s3+$0x0], $0xffff;
	[tilespmem:s28+$0x3400] =	vst v6  }
0x9c: {  	v51 =	vadd.s32 $0xC8, v43;
	[tilespmem:s28+$0x3410] =	vst v63;
	v41 =	vld.idx.msk [tilespmem:v41+s3+$0x0], $0xffff  }
0x9d: {  	v54 =	vadd.s32 $0xC8, v5;
	v59 =	vld.idx.msk [tilespmem:v44+s3+$0x0], $0xffff;
	[tilespmem:s28+$0x6470] =	vst v62  }
0x9e: {  	v45 =	vadd.s32 $0x12C, v40;
	v0 =	vld.idx.msk [tilespmem:v0+s3+$0x0], $0xffff;
	[tilespmem:s28+$0x3420] =	vst v1  }
0x9f: {  	v1 =	vadd.s32 $0x258, v4;
	[tilespmem:s28+$0x3430] =	vst v10;
	v61 =	vld.idx.msk [tilespmem:v46+s3+$0x0], $0xffff  }
0xa0: {  	[tilespmem:s28+$0x3440] =	vst v50;
	v10 =	vld.idx.msk [tilespmem:v48+s3+$0x0], $0xffff  }
0xa1: {  	v42 =	vadd.s32 $0x12C, v9;
	[tilespmem:s28+$0x3450] =	vst v53;
	v62 =	vld.idx.msk [tilespmem:v51+s3+$0x0], $0xffff  }
0xa2: {  	v47 =	vadd.s32 $0x12C, v7;
	v63 =	vld.idx.msk [tilespmem:v54+s3+$0x0], $0xffff;
	[tilespmem:s28+$0x4410] =	vst v59  }
0xa3: {  	v49 =	vadd.s32 $0x12C, v8;
	v54 =	vld.idx.msk [tilespmem:v45+s3+$0x0], $0xffff;
	[tilespmem:s28+$0x7470] =	vst v0  }
0xa4: {  	v52 =	vadd.s32 $0x12C, v43;
	[tilespmem:s28+$0x4400] =	vst v41;
	v0 =	vld.idx.msk [tilespmem:v1+s3+$0x0], $0xffff  }
0xa5: {  	v57 =	vadd.s32 $0x12C, v5;
	v1 =	vld.idx.msk [tilespmem:v22+s3+$0x0], $0xffff;
	[tilespmem:s28+$0x4420] =	vst v61  }
0xa6: {  	v53 =	vadd.s32 $0x2BC, v4;
	v22 =	vld.idx.msk [tilespmem:v42+s3+$0x0], $0xffff;
	[tilespmem:s28+$0x4430] =	vst v10  }
0xa7: {  	[tilespmem:s28+$0x4440] =	vst v62;
	v10 =	vld.idx.msk [tilespmem:v47+s3+$0x0], $0xffff  }
0xa8: {  	v32 =	vadd.s32 $0x190, v9;
	[tilespmem:s28+$0x4450] =	vst v63;
	v59 =	vld.idx.msk [tilespmem:v49+s3+$0x0], $0xffff  }
0xa9: {  	v55 =	vadd.s32 $0x190, v40;
	v61 =	vld.idx.msk [tilespmem:v52+s3+$0x0], $0xffff;
	[tilespmem:s28+$0x8470] =	vst v0  }
0xaa: {  	v56 =	vadd.s32 $0x190, v7;
	[tilespmem:s28+$0x5460] =	vst v1;
	v1 =	vld.idx.msk [tilespmem:v57+s3+$0x0], $0xffff  }
0xab: {  	v58 =	vadd.s32 $0x190, v8;
	[tilespmem:s28+$0x5410] =	vst v54;
	v0 =	vld.idx.msk [tilespmem:v53+s3+$0x0], $0xffff  }
0xac: {  	v60 =	vadd.s32 $0x190, v43;
	[tilespmem:s28+$0x5400] =	vst v22;
	v17 =	vld.idx.msk [tilespmem:v17+s3+$0x0], $0xffff  }
0xad: {  	v39 =	vadd.s32 $0x190, v5;
	v32 =	vld.idx.msk [tilespmem:v32+s3+$0x0], $0xffff;
	[tilespmem:s28+$0x5420] =	vst v10  }
0xae: {  	v22 =	vadd.s32 $0x320, v4;
	v10 =	vld.idx.msk [tilespmem:v55+s3+$0x0], $0xffff;
	[tilespmem:s28+$0x5430] =	vst v59  }
0xaf: {  	[tilespmem:s28+$0x5440] =	vst v61;
	v62 =	vld.idx.msk [tilespmem:v56+s3+$0x0], $0xffff  }
0xb0: {  	v26 =	vadd.s32 $0x1F4, v9;
	v63 =	vld.idx.msk [tilespmem:v58+s3+$0x0], $0xffff;
	[tilespmem:s28+$0x5450] =	vst v1  }
0xb1: {  	v38 =	vadd.s32 $0x1F4, v40;
	v1 =	vld.idx.msk [tilespmem:v60+s3+$0x0], $0xffff;
	[tilespmem:s28+$0x9470] =	vst v0  }
0xb2: {  	v37 =	vadd.s32 $0x1F4, v7;
	[tilespmem:s28+$0x6460] =	vst v17;
	v17 =	vld.idx.msk [tilespmem:v39+s3+$0x0], $0xffff  }
0xb3: {  	v34 =	vadd.s32 $0x1F4, v8;
	[tilespmem:s28+$0x6400] =	vst v32;
	v0 =	vld.idx.msk [tilespmem:v22+s3+$0x0], $0xffff  }
0xb4: {  	v4 =	vadd.s32 $0x384, v4;
	[tilespmem:s28+$0x6410] =	vst v10;
	v10 =	vld.idx.msk [tilespmem:v11+s3+$0x0], $0xffff  }
0xb5: {  	v35 =	vadd.s32 $0x1F4, v5;
	v11 =	vld.idx.msk [tilespmem:v26+s3+$0x0], $0xffff;
	[tilespmem:s28+$0x6420] =	vst v62  }
0xb6: {  	v36 =	vadd.s32 $0x1F4, v43;
	v22 =	vld.idx.msk [tilespmem:v38+s3+$0x0], $0xffff;
	[tilespmem:s28+$0x6430] =	vst v63  }
0xb7: {  	v26 =	vld.idx.msk [tilespmem:v37+s3+$0x0], $0xffff;
	[tilespmem:s28+$0x6440] =	vst v1  }
0xb8: {  	v2 =	vmov v24;
	v24 =	vadd.s32 $0x258, v9;
	v1 =	vld.idx.msk [tilespmem:v34+s3+$0x0], $0xffff;
	[tilespmem:s28+$0xA470] =	vst v0  }
0xb9: {  	[tilespmem:s28+$0x6450] =	vst v17;
	v0 =	vld.idx.msk [tilespmem:v4+s3+$0x0], $0xffff  }
0xba: {  	v28 =	vadd.s32 $0x258, v40;
	[tilespmem:s28+$0x7460] =	vst v10;
	v10 =	vld.idx.msk [tilespmem:v35+s3+$0x0], $0xffff  }
0xbb: {  	v33 =	vadd.s32 $0x258, v7;
	v4 =	vld.idx.msk [tilespmem:v36+s3+$0x0], $0xffff  }
0xbc: {  	v30 =	vadd.s32 $0x258, v8;
	[tilespmem:s28+$0x7400] =	vst v11;
	v3 =	vld.idx.msk [tilespmem:v3+s3+$0x0], $0xffff  }
0xbd: {  	v31 =	vadd.s32 $0x258, v5;
	[tilespmem:s28+$0x7410] =	vst v22;
	v32 =	vld.idx.msk [tilespmem:v24+s3+$0x0], $0xffff  }
0xbe: {  	[tilespmem:s28+$0xB470] =	vst v0;
	v0 =	vld [tilespmem:$0x1FFF0]  }
0xbf: {  	v29 =	vadd.s32 $0x258, v43;
	[tilespmem:s28+$0x7420] =	vst v26;
	v28 =	vld.idx.msk [tilespmem:v28+s3+$0x0], $0xffff  }
0xc0: {  	s29 =	sadd.s32 $0x8, s29;
	v27 =	vadd.s32 $0x2BC, v9;
	v11 =	vld.idx.msk [tilespmem:v33+s3+$0x0], $0xffff;
	[tilespmem:s28+$0x7430] =	vst v1  }
0xc1: {  	p1 =	slt.u32 s29, $0xF8;
	v25 =	vadd.s32 $0x2BC, v40;
	v23 =	vadd.s32 $0x2BC, v7;
	v17 =	vld.idx.msk [tilespmem:v30+s3+$0x0], $0xffff;
	[tilespmem:s28+$0x7450] =	vst v10  }
.Ltmp0:
0xc2: {  	v14 =	vadd.s32 $0x320, v8;
	v15 =	vadd.s32 $0x320, v9;
	v18 =	vadd.s32 $0x320, v40;
	[tilespmem:s28+$0x7440] =	vst v4;
	v24 =	vld.idx.msk [tilespmem:v31+s3+$0x0], $0xffff;
	(pc) =	sbr.rel @p1 .LBB2_3-.Ltmp0, $4  }
0xc3: {  	v9 =	vadd.s32 $0x384, v9;
	v40 =	vadd.s32 $0x384, v40;
	v13 =	vadd.s32 $0x320, v5;
	[tilespmem:s28+$0x8400] =	vst v32;
	v32 =	vld [tilespmem:$0x1FFE0]  }
0xc4: {  	v12 =	vadd.s32 $0x320, v43;
	v20 =	vadd.s32 $0x2BC, v8;
	v21 =	vadd.s32 $0x2BC, v43;
	v22 =	vld.idx.msk [tilespmem:v29+s3+$0x0], $0xffff  }
0xc5: {  	v19 =	vadd.s32 $0x2BC, v5;
	v8 =	vadd.s32 $0x384, v8;
	v5 =	vadd.s32 $0x384, v5;
	v31 =	vmovc v2;
	[tilespmem:s28+$0x8460] =	vst v3;
	v2 =	vld.idx.msk [tilespmem:v27+s3+$0x0], $0xffff  }
0xc6: {  	s30 =	sadd.s32 $0x1, s30;
	v16 =	vadd.s32 $0x320, v7;
	v7 =	vadd.s32 $0x384, v7;
	v6 =	vadd.s32 $0x384, v43;
	[tilespmem:s28+$0x8410] =	vst v28;
	v26 =	vld.idx.msk [tilespmem:v0+s3+$0x0], $0xffff  }
0xc7: {  	_ =	sdelay $0x2  }
0xc8: {  	[tilespmem:s28+$0x8420] =	vst v11  }
0xc9: {  	v0 =	vld.idx.msk [tilespmem:v25+s3+$0x0], $0xffff;
	[tilespmem:s28+$0x8430] =	vst v17  }
0xca: {  	[tilespmem:s28+$0x8450] =	vst v24;
	v1 =	vld.idx.msk [tilespmem:v23+s3+$0x0], $0xffff  }
0xcb: {  	v3 =	vld.idx.msk [tilespmem:v20+s3+$0x0], $0xffff;
	[tilespmem:s28+$0x8440] =	vst v22  }
0xcc: {  	v4 =	vld.idx.msk [tilespmem:v21+s3+$0x0], $0xffff;
	[tilespmem:s28+$0x9400] =	vst v2  }
0xcd: {  	v2 =	vld.idx.msk [tilespmem:v19+s3+$0x0], $0xffff;
	[tilespmem:s28+$0x9460] =	vst v26  }
0xce: {  	[tilespmem:s28+$0x9410] =	vst v0;
	v0 =	vld.idx.msk [tilespmem:v32+s3+$0x0], $0xffff  }
0xcf: {  	[tilespmem:s28+$0x9420] =	vst v1;
	v1 =	vld.idx.msk [tilespmem:v15+s3+$0x0], $0xffff  }
0xd0: {  	[tilespmem:s28+$0x9430] =	vst v3;
	v3 =	vld.idx.msk [tilespmem:v18+s3+$0x0], $0xffff  }
0xd1: {  	v10 =	vld.idx.msk [tilespmem:v14+s3+$0x0], $0xffff;
	[tilespmem:s28+$0x9440] =	vst v4  }
0xd2: {  	v4 =	vld.idx.msk [tilespmem:v16+s3+$0x0], $0xffff;
	[tilespmem:s28+$0x9450] =	vst v2  }
0xd3: {  	[tilespmem:s28+$0xA460] =	vst v0;
	v0 =	vld.idx.msk [tilespmem:v12+s3+$0x0], $0xffff  }
0xd4: {  	[tilespmem:s28+$0xA400] =	vst v1;
	v1 =	vld.idx.msk [tilespmem:v13+s3+$0x0], $0xffff  }
0xd5: {  	[tilespmem:s28+$0xA410] =	vst v3;
	v2 =	vld.idx.msk [tilespmem:v31+s3+$0x0], $0xffff  }
0xd6: {  	v3 =	vld.idx.msk [tilespmem:v9+s3+$0x0], $0xffff;
	[tilespmem:s28+$0xA430] =	vst v10  }
0xd7: {  	[tilespmem:s28+$0xA420] =	vst v4;
	v4 =	vld.idx.msk [tilespmem:v40+s3+$0x0], $0xffff  }
0xd8: {  	[tilespmem:s28+$0xA440] =	vst v0;
	v0 =	vld.idx.msk [tilespmem:v7+s3+$0x0], $0xffff  }
0xd9: {  	[tilespmem:s28+$0xA450] =	vst v1;
	v1 =	vld.idx.msk [tilespmem:v8+s3+$0x0], $0xffff  }
0xda: {  	[tilespmem:s28+$0xB460] =	vst v2;
	v2 =	vld.idx.msk [tilespmem:v6+s3+$0x0], $0xffff  }
0xdb: {  	[tilespmem:s28+$0xB400] =	vst v3;
	v3 =	vld.idx.msk [tilespmem:v5+s3+$0x0], $0xffff  }
0xdc: {  	[tilespmem:s28+$0xB410] =	vst v4  }
0xdd: {  	[tilespmem:s28+$0xB420] =	vst v0  }
0xde: {  	s0 =	sshll.u32 s25, $0xA;
	[tilespmem:s28+$0xB430] =	vst v1  }
0xdf: {  	s26 =	sadd.s32 s4, s0;
	[tilespmem:s28+$0xB440] =	vst v2  }
0xe0: {  	s0 =	sadd.s32 s2, s26;
	[tilespmem:s28+$0xB450] =	vst v3  }
0xe1: {  	[hbm4b:s0+s17] =	stream.strided.scatter [tilespmem:s19], [sflag:$0x3], $0xA000, s18, s17, $0x38;
	[tilespmem:$0x16400] =	vst v63  }
0xe2: {  	s5 =	sadd.s32 s10, s26  }
0xe3: {  	[tilespmem:s14], [sflag:$0x1] =	stream.linear.gather [hbm4b:s5+s3], $0x1000, $0x38;
	[tilespmem:$0x16400] =	vst v63  }
0xe4: {  	_ =	swait.ge [sflag:s20], $0x1000  }
0xe5: {  	s29 =	simm.s32 $0x0;
	[sflag:s20] =	ssyncset.done $0x0  }
0xe6: {  	s1 =	sand.u32 $0x3, s29;
	s0 =	simm.s32 @!p0 $0x4;
	[sflag:s20] =	ssyncadd.s32 $0xFFFFF000  }
0xe7: {  	s1 =	sshll.u32 s1, $0xA;
	_ =	swait.ge @!p0 [sflag:s0], $0xA000  }
0xe8: {  	s1 =	sadd.s32 $0x0, s1;
	[sflag:s0] =	ssyncset.done @!p0 $0x0  }
0xe9: {  	s6 =	sor.u32 $0x70, s1;
	[sflag:s0] =	ssyncadd.s32 @!p0 $0xFFFF6000  }
0xea: {  	s1 =	sor.u32 $0x60, s1;
	v1 =	vld [tilespmem:s6+$0x1400]  }
0xeb: {  	v0 =	vld [tilespmem:s1+$0x1400];
	_ =	sdelay $0x6  }
0xec: {  	v2 =	vld.idx.msk [tilespmem:v1+s3+$0x0], $0xffff  }
0xed: {  	v3 =	vadd.s32 $0x64, v1;
	v4 =	vld.idx.msk [tilespmem:v0+s3+$0x0], $0xffff  }
0xee: {  	v5 =	vadd.s32 $0x64, v0;
	_ =	sdelay $0x2  }
0xef: {  	[tilespmem:s6+$0xC400] =	vst v2  }
0xf0: {  	s5 =	sand.u32 $0xC00, s29;
	[tilespmem:s1+$0xC400] =	vst v4;
	s6 =	sand.u32 $0x380, s29;
	v2 =	vld.idx.msk [tilespmem:v3+s3+$0x0], $0xffff  }
0xf1: {  	v3 =	vadd.s32 $0xC8, v1;
	v4 =	vld.idx.msk [tilespmem:v5+s3+$0x0], $0xffff;
	s28 =	sor.u32 s6, s5  }
0xf2: {  	v5 =	vld [tilespmem:s28+$0x1410]  }
0xf3: {  	v6 =	vld [tilespmem:s28+$0x1420]  }
0xf4: {  	v9 =	vadd.s32 $0xC8, v0;
	v7 =	vld [tilespmem:s28+$0x1400]  }
0xf5: {  	[tilespmem:s28+$0xD470] =	vst v2;
	v2 =	vld [tilespmem:s28+$0x1430]  }
0xf6: {  	v8 =	vld.idx.msk [tilespmem:v3+s3+$0x0], $0xffff  }
0xf7: {  	v10 =	vadd.s32 $0x12C, v1;
	[tilespmem:s28+$0xD460] =	vst v4;
	v4 =	vld [tilespmem:s28+$0x1450]  }
0xf8: {  	v3 =	vld [tilespmem:s28+$0x1440]  }
0xf9: {  	v9 =	vld.idx.msk [tilespmem:v9+s3+$0x0], $0xffff  }
0xfa: {  	v11 =	vld.idx.msk [tilespmem:v5+s3+$0x0], $0xffff  }
0xfb: {  	v14 =	vld.idx.msk [tilespmem:v6+s3+$0x0], $0xffff;
	[tilespmem:s28+$0xE470] =	vst v8  }
0xfc: {  	v15 =	vadd.s32 $0x64, v5;
	v8 =	vld.idx.msk [tilespmem:v10+s3+$0x0], $0xffff  }
0xfd: {  	v17 =	vadd.s32 $0x64, v6;
	v10 =	vld.idx.msk [tilespmem:v7+s3+$0x0], $0xffff  }
0xfe: {  	v12 =	vadd.s32 $0x190, v1;
	v16 =	vld.idx.msk [tilespmem:v2+s3+$0x0], $0xffff  }
0xff: {  	[tilespmem:s28+$0xE460] =	vst v9;
	v19 =	vld.idx.msk [tilespmem:v4+s3+$0x0], $0xffff  }
0x100: {  	v13 =	vadd.s32 $0x64, v7;
	v18 =	vld.idx.msk [tilespmem:v3+s3+$0x0], $0xffff;
	[tilespmem:s28+$0xC410] =	vst v11  }
0x101: {  	v9 =	vadd.s32 $0x64, v2;
	[tilespmem:s28+$0xC420] =	vst v14;
	v11 =	vld.idx.msk [tilespmem:v15+s3+$0x0], $0xffff  }
0x102: {  	v17 =	vld.idx.msk [tilespmem:v17+s3+$0x0], $0xffff;
	[tilespmem:s28+$0xF470] =	vst v8;
	v8 =	vadd.s32 $0x64, v3  }
0x103: {  	[tilespmem:s28+$0xC400] =	vst v10;
	v10 =	vld.idx.msk [tilespmem:v12+s3+$0x0], $0xffff;
	v12 =	vadd.s32 $0x64, v4  }
0x104: {  	[tilespmem:s28+$0xC430] =	vst v16;
	v16 =	vadd.s32 $0xC8, v5  }
0x105: {  	v14 =	vadd.s32 $0x1F4, v1;
	v13 =	vld.idx.msk [tilespmem:v13+s3+$0x0], $0xffff;
	[tilespmem:s28+$0xC450] =	vst v19  }
0x106: {  	v15 =	vadd.s32 $0xC8, v7;
	v9 =	vld.idx.msk [tilespmem:v9+s3+$0x0], $0xffff;
	[tilespmem:s28+$0xC440] =	vst v18  }
0x107: {  	v18 =	vadd.s32 $0xC8, v6;
	[tilespmem:s28+$0xD410] =	vst v11;
	v8 =	vld.idx.msk [tilespmem:v8+s3+$0x0], $0xffff  }
0x108: {  	s30 =	sadd.s32 $0xC400, s28;
	v19 =	vadd.s32 $0xC8, v2;
	[tilespmem:s28+$0xD420] =	vst v17;
	v12 =	vld.idx.msk [tilespmem:v12+s3+$0x0], $0xffff  }
0x109: {  	[tilespmem:s30+$0x4070] =	vst v10;
	v10 =	vadd.s32 $0xC8, v3;
	v11 =	vld.idx.msk [tilespmem:v16+s3+$0x0], $0xffff  }
0x10a: {  	v17 =	vadd.s32 $0x12C, v0;
	[tilespmem:s28+$0xD400] =	vst v13;
	v13 =	vld.idx.msk [tilespmem:v14+s3+$0x0], $0xffff  }
0x10b: {  	v14 =	vadd.s32 $0xC8, v4;
	v15 =	vld.idx.msk [tilespmem:v15+s3+$0x0], $0xffff  }
0x10c: {  	v16 =	vadd.s32 $0x258, v1;
	v18 =	vld.idx.msk [tilespmem:v18+s3+$0x0], $0xffff;
	[tilespmem:s28+$0xD430] =	vst v9  }
0x10d: {  	v9 =	vadd.s32 $0x12C, v7;
	v19 =	vld.idx.msk [tilespmem:v19+s3+$0x0], $0xffff;
	[tilespmem:s28+$0xD440] =	vst v8  }
0x10e: {  	v8 =	vadd.s32 $0x12C, v5;
	v10 =	vld.idx.msk [tilespmem:v10+s3+$0x0], $0xffff;
	[tilespmem:s28+$0xD450] =	vst v12  }
0x10f: {  	v12 =	vadd.s32 $0x12C, v6;
	[tilespmem:s28+$0xE410] =	vst v11;
	v11 =	vld.idx.msk [tilespmem:v17+s3+$0x0], $0xffff  }
0x110: {  	v14 =	vld.idx.msk [tilespmem:v14+s3+$0x0], $0xffff;
	[tilespmem:s30+$0x5070] =	vst v13;
	v13 =	vadd.s32 $0x12C, v2  }
0x111: {  	[tilespmem:s28+$0xE400] =	vst v15;
	v15 =	vld.idx.msk [tilespmem:v16+s3+$0x0], $0xffff;
	v16 =	vadd.s32 $0x12C, v3  }
0x112: {  	[tilespmem:s28+$0xE420] =	vst v18;
	v18 =	vadd.s32 $0x12C, v4;
	v9 =	vld.idx.msk [tilespmem:v9+s3+$0x0], $0xffff  }
0x113: {  	v17 =	vadd.s32 $0x2BC, v1;
	[tilespmem:s28+$0xE430] =	vst v19;
	v8 =	vld.idx.msk [tilespmem:v8+s3+$0x0], $0xffff  }
0x114: {  	v19 =	vadd.s32 $0x190, v0;
	v12 =	vld.idx.msk [tilespmem:v12+s3+$0x0], $0xffff;
	[tilespmem:s28+$0xE440] =	vst v10  }
0x115: {  	v10 =	vadd.s32 $0x190, v7;
	v13 =	vld.idx.msk [tilespmem:v13+s3+$0x0], $0xffff;
	[tilespmem:s28+$0xE450] =	vst v14  }
0x116: {  	v14 =	vadd.s32 $0x190, v5;
	v16 =	vld.idx.msk [tilespmem:v16+s3+$0x0], $0xffff;
	[tilespmem:s30+$0x6070] =	vst v15  }
0x117: {  	v15 =	vadd.s32 $0x190, v6;
	[tilespmem:s28+$0xF400] =	vst v9;
	v9 =	vld.idx.msk [tilespmem:v18+s3+$0x0], $0xffff  }
0x118: {  	[tilespmem:s28+$0xF460] =	vst v11;
	v11 =	vld.idx.msk [tilespmem:v17+s3+$0x0], $0xffff;
	v17 =	vadd.s32 $0x190, v2  }
0x119: {  	v18 =	vadd.s32 $0x320, v1;
	[tilespmem:s28+$0xF410] =	vst v8;
	v8 =	vld.idx.msk [tilespmem:v19+s3+$0x0], $0xffff  }
0x11a: {  	v19 =	vadd.s32 $0x190, v3;
	v10 =	vld.idx.msk [tilespmem:v10+s3+$0x0], $0xffff;
	[tilespmem:s28+$0xF420] =	vst v12  }
0x11b: {  	v12 =	vadd.s32 $0x190, v4;
	v14 =	vld.idx.msk [tilespmem:v14+s3+$0x0], $0xffff;
	[tilespmem:s28+$0xF430] =	vst v13  }
0x11c: {  	v13 =	vadd.s32 $0x1F4, v0;
	v15 =	vld.idx.msk [tilespmem:v15+s3+$0x0], $0xffff;
	[tilespmem:s28+$0xF440] =	vst v16  }
0x11d: {  	v16 =	vadd.s32 $0x1F4, v7;
	v17 =	vld.idx.msk [tilespmem:v17+s3+$0x0], $0xffff;
	[tilespmem:s30+$0x7070] =	vst v11  }
0x11e: {  	[tilespmem:s28+$0xF450] =	vst v9;
	v11 =	vadd.s32 $0x1F4, v5;
	v9 =	vld.idx.msk [tilespmem:v18+s3+$0x0], $0xffff  }
0x11f: {  	v18 =	vadd.s32 $0x1F4, v6;
	v19 =	vld.idx.msk [tilespmem:v19+s3+$0x0], $0xffff;
	[tilespmem:s30+$0x4060] =	vst v8  }
0x120: {  	v1 =	vadd.s32 $0x384, v1;
	[tilespmem:s28+$0x10400] =	vst v10;
	v8 =	vld.idx.msk [tilespmem:v12+s3+$0x0], $0xffff  }
0x121: {  	v10 =	vadd.s32 $0x1F4, v2;
	[tilespmem:s30+$0x4010] =	vst v14;
	v12 =	vld.idx.msk [tilespmem:v13+s3+$0x0], $0xffff  }
0x122: {  	v13 =	vadd.s32 $0x1F4, v3;
	v14 =	vld.idx.msk [tilespmem:v16+s3+$0x0], $0xffff;
	[tilespmem:s30+$0x4020] =	vst v15  }
0x123: {  	v15 =	vadd.s32 $0x1F4, v4;
	v11 =	vld.idx.msk [tilespmem:v11+s3+$0x0], $0xffff;
	[tilespmem:s30+$0x4030] =	vst v17  }
0x124: {  	v16 =	vadd.s32 $0x258, v0;
	v17 =	vld.idx.msk [tilespmem:v18+s3+$0x0], $0xffff;
	[tilespmem:s30+$0x8070] =	vst v9  }
0x125: {  	v9 =	vadd.s32 $0x258, v7;
	[tilespmem:s30+$0x4040] =	vst v19;
	v18 =	vld.idx.msk [tilespmem:v1+s3+$0x0], $0xffff  }
0x126: {  	v19 =	vadd.s32 $0x258, v5;
	v10 =	vld.idx.msk [tilespmem:v10+s3+$0x0], $0xffff;
	[tilespmem:s30+$0x4050] =	vst v8  }
0x127: {  	v8 =	vadd.s32 $0x258, v6;
	v13 =	vld.idx.msk [tilespmem:v13+s3+$0x0], $0xffff;
	[tilespmem:s30+$0x5060] =	vst v12  }
0x128: {  	v12 =	vadd.s32 $0x258, v2;
	[tilespmem:s28+$0x11400] =	vst v14;
	v14 =	vld.idx.msk [tilespmem:v15+s3+$0x0], $0xffff  }
0x129: {  	v22 =	vadd.s32 $0x258, v3;
	v26 =	vld.idx.msk [tilespmem:v16+s3+$0x0], $0xffff;
	[tilespmem:s30+$0x5010] =	vst v11  }
0x12a: {  	v24 =	vadd.s32 $0x258, v4;
	v27 =	vld.idx.msk [tilespmem:v9+s3+$0x0], $0xffff;
	[tilespmem:s30+$0x5020] =	vst v17  }
0x12b: {  	v28 =	vadd.s32 $0x2BC, v0;
	v32 =	vadd.s32 $0x320, v0;
	v31 =	vadd.s32 $0x384, v0;
	v29 =	vld.idx.msk [tilespmem:v19+s3+$0x0], $0xffff;
	[tilespmem:s30+$0x9070] =	vst v18  }
0x12c: {  	v30 =	vadd.s32 $0x2BC, v7;
	v25 =	vadd.s32 $0x2BC, v5;
	v23 =	vadd.s32 $0x2BC, v6;
	v11 =	vld.idx.msk [tilespmem:v8+s3+$0x0], $0xffff;
	[tilespmem:s30+$0x5030] =	vst v10  }
0x12d: {  	v40 =	vadd.s32 $0x384, v5;
	v20 =	vadd.s32 $0x2BC, v2;
	v21 =	vadd.s32 $0x2BC, v3;
	v17 =	vld.idx.msk [tilespmem:v12+s3+$0x0], $0xffff;
	[tilespmem:s30+$0x5040] =	vst v13  }
0x12e: {  	v15 =	vadd.s32 $0x320, v7;
	v16 =	vadd.s32 $0x320, v6;
	v19 =	vadd.s32 $0x2BC, v4;
	v22 =	vld.idx.msk [tilespmem:v22+s3+$0x0], $0xffff;
	[tilespmem:s30+$0x5050] =	vst v14  }
0x12f: {  	v9 =	vadd.s32 $0x384, v7;
	v7 =	vadd.s32 $0x384, v6;
	v6 =	vadd.s32 $0x384, v3;
	[tilespmem:s30+$0x6060] =	vst v26;
	v24 =	vld.idx.msk [tilespmem:v24+s3+$0x0], $0xffff  }
0x130: {  	v18 =	vadd.s32 $0x320, v5;
	v8 =	vadd.s32 $0x384, v2;
	v5 =	vadd.s32 $0x384, v4;
	v26 =	vld.idx.msk [tilespmem:v28+s3+$0x0], $0xffff;
	[tilespmem:s28+$0x12400] =	vst v27  }
0x131: {  	s31 =	simm.s32 $0x0;
	s0 =	simm.s32 $0x0;
	s1 =	simm.s32 $0x1;
	v12 =	vadd.s32 $0x320, v3;
	v13 =	vadd.s32 $0x320, v4;
	v14 =	vadd.s32 $0x320, v2;
	[tilespmem:s30+$0x6010] =	vst v29;
	v2 =	vld.idx.msk [tilespmem:v30+s3+$0x0], $0xffff  }
.LBB2_5:
0x132: {  	s5 =	sand.u32 $0x3, s1  }
0x133: {  	s29 =	sadd.s32 $0x20, s29;
	s5 =	sshll.u32 s5, $0xA  }
0x134: {  	s5 =	sadd.s32 s5, s29  }
0x135: {  	v3 =	vld.idx.msk [tilespmem:v25+s3+$0x0], $0xffff;
	s6 =	sor.u32 $0x60, s5;
	s5 =	sor.u32 $0x70, s5  }
0x136: {  	[tilespmem:s30+$0x6020] =	vst v11;
	v4 =	vld [tilespmem:s5+$0x1400]  }
0x137: {  	[tilespmem:s30+$0x6030] =	vst v17;
	v11 =	vld.idx.msk [tilespmem:v23+s3+$0x0], $0xffff  }
0x138: {  	[tilespmem:s30+$0x6040] =	vst v22;
	v17 =	vld.idx.msk [tilespmem:v20+s3+$0x0], $0xffff  }
0x139: {  	[tilespmem:s30+$0x7060] =	vst v26;
	v20 =	vld.idx.msk [tilespmem:v21+s3+$0x0], $0xffff  }
0x13a: {  	[tilespmem:s30+$0x6050] =	vst v24;
	v21 =	vld [tilespmem:s6+$0x1400]  }
0x13b: {  	v19 =	vld.idx.msk [tilespmem:v19+s3+$0x0], $0xffff  }
0x13c: {  	[tilespmem:s28+$0x13400] =	vst v2;
	v23 =	vld.idx.msk [tilespmem:v32+s3+$0x0], $0xffff  }
0x13d: {  	[tilespmem:s30+$0x7010] =	vst v3;
	v15 =	vld.idx.msk [tilespmem:v15+s3+$0x0], $0xffff  }
0x13e: {  	v18 =	vld.idx.msk [tilespmem:v18+s3+$0x0], $0xffff;
	[tilespmem:s30+$0x7020] =	vst v11  }
0x13f: {  	[tilespmem:s30+$0x7030] =	vst v17;
	v16 =	vld.idx.msk [tilespmem:v16+s3+$0x0], $0xffff  }
0x140: {  	[tilespmem:s30+$0x7040] =	vst v20;
	v14 =	vld.idx.msk [tilespmem:v14+s3+$0x0], $0xffff  }
0x141: {  	[tilespmem:s30+$0x7050] =	vst v19;
	v12 =	vld.idx.msk [tilespmem:v12+s3+$0x0], $0xffff  }
0x142: {  	v0 =	vadd.s32 $0x2BC, v21;
	[tilespmem:s28+$0x14400] =	vst v15;
	v13 =	vld.idx.msk [tilespmem:v13+s3+$0x0], $0xffff  }
0x143: {  	[tilespmem:$0x1FFD0] =	vst v0;
	v9 =	vld.idx.msk [tilespmem:v9+s3+$0x0], $0xffff  }
0x144: {  	[tilespmem:s30+$0x8010] =	vst v18;
	v26 =	vld.idx.msk [tilespmem:v4+s3+$0x0], $0xffff  }
0x145: {  	v20 =	vadd.s32 $0x64, v21;
	v25 =	vadd.s32 $0xC8, v21;
	v22 =	vadd.s32 $0x12C, v21;
	v19 =	vld.idx.msk [tilespmem:v21+s3+$0x0], $0xffff;
	[tilespmem:s30+$0x8060] =	vst v23  }
0x146: {  	v17 =	vadd.s32 $0x190, v21;
	v11 =	vadd.s32 $0x1F4, v21;
	v3 =	vadd.s32 $0x258, v21;
	v10 =	vld.idx.msk [tilespmem:v40+s3+$0x0], $0xffff;
	[tilespmem:s30+$0x8020] =	vst v16  }
0x147: {  	v24 =	vadd.s32 $0x384, v21;
	v0 =	vadd.s32 $0x320, v21;
	v21 =	vadd.s32 $0x64, v4;
	v15 =	vld.idx.msk [tilespmem:v31+s3+$0x0], $0xffff;
	[tilespmem:s30+$0x8030] =	vst v14  }
0x148: {  	[tilespmem:s30+$0x8040] =	vst v12;
	v7 =	vld.idx.msk [tilespmem:v7+s3+$0x0], $0xffff  }
0x149: {  	[tilespmem:s30+$0x8050] =	vst v13;
	v8 =	vld.idx.msk [tilespmem:v8+s3+$0x0], $0xffff  }
0x14a: {  	[tilespmem:s28+$0x15400] =	vst v9;
	v6 =	vld.idx.msk [tilespmem:v6+s3+$0x0], $0xffff  }
0x14b: {  	s0 =	sadd.s32 $0x400, s0;
	[tilespmem:s5+$0xC400] =	vst v26;
	v5 =	vld.idx.msk [tilespmem:v5+s3+$0x0], $0xffff  }
0x14c: {  	s5 =	sand.u32 $0xC00, s0;
	[tilespmem:s6+$0xC400] =	vst v19;
	v14 =	vld.idx.msk [tilespmem:v21+s3+$0x0], $0xffff;
	s6 =	sand.u32 $0x380, s29  }
0x14d: {  	v12 =	vadd.s32 $0xC8, v4;
	[tilespmem:s30+$0x9010] =	vst v10;
	v16 =	vld.idx.msk [tilespmem:v20+s3+$0x0], $0xffff;
	s28 =	sor.u32 s6, s5  }
0x14e: {  	[tilespmem:s30+$0x9060] =	vst v15;
	v9 =	vld [tilespmem:s28+$0x1400]  }
0x14f: {  	v40 =	vld [tilespmem:s28+$0x1410];
	[tilespmem:s30+$0x9020] =	vst v7  }
0x150: {  	[tilespmem:s30+$0x9030] =	vst v8;
	v7 =	vld [tilespmem:s28+$0x1420]  }
0x151: {  	[tilespmem:s28+$0xD470] =	vst v14;
	v8 =	vld [tilespmem:s28+$0x1430]  }
0x152: {  	[tilespmem:s30+$0x9040] =	vst v6;
	v10 =	vld.idx.msk [tilespmem:v12+s3+$0x0], $0xffff  }
0x153: {  	[tilespmem:s30+$0x9050] =	vst v5;
	v43 =	vld [tilespmem:s28+$0x1440];
	v12 =	vadd.s32 $0x12C, v4  }
0x154: {  	v5 =	vld [tilespmem:s28+$0x1450];
	[tilespmem:s28+$0xD460] =	vst v16  }
0x155: {  	v14 =	vld.idx.msk [tilespmem:v25+s3+$0x0], $0xffff  }
0x156: {  	v15 =	vld.idx.msk [tilespmem:v9+s3+$0x0], $0xffff  }
0x157: {  	v18 =	vld.idx.msk [tilespmem:v40+s3+$0x0], $0xffff;
	[tilespmem:s28+$0xE470] =	vst v10  }
0x158: {  	v6 =	vadd.s32 $0x64, v9;
	v12 =	vld.idx.msk [tilespmem:v12+s3+$0x0], $0xffff  }
0x159: {  	v13 =	vadd.s32 $0x64, v40;
	v20 =	vld.idx.msk [tilespmem:v7+s3+$0x0], $0xffff  }
0x15a: {  	[tilespmem:$0x1FFC0] =	vst v0;
	v19 =	vadd.s32 $0x190, v4;
	v21 =	vld.idx.msk [tilespmem:v8+s3+$0x0], $0xffff  }
0x15b: {  	v10 =	vadd.s32 $0x64, v7;
	[tilespmem:s28+$0xE460] =	vst v14;
	v59 =	vld.idx.msk [tilespmem:v43+s3+$0x0], $0xffff  }
0x15c: {  	v16 =	vadd.s32 $0x64, v8;
	v61 =	vld.idx.msk [tilespmem:v5+s3+$0x0], $0xffff;
	[tilespmem:s28+$0xC400] =	vst v15  }
0x15d: {  	v50 =	vadd.s32 $0x64, v43;
	[tilespmem:s28+$0xC410] =	vst v18;
	v6 =	vld.idx.msk [tilespmem:v6+s3+$0x0], $0xffff  }
0x15e: {  	v53 =	vadd.s32 $0x64, v5;
	v63 =	vld.idx.msk [tilespmem:v13+s3+$0x0], $0xffff;
	[tilespmem:s28+$0xF470] =	vst v12  }
0x15f: {  	v41 =	vadd.s32 $0xC8, v9;
	v62 =	vld.idx.msk [tilespmem:v19+s3+$0x0], $0xffff;
	[tilespmem:s28+$0xC420] =	vst v20  }
0x160: {  	v44 =	vadd.s32 $0xC8, v40;
	[tilespmem:s28+$0xC430] =	vst v21;
	v1 =	vld.idx.msk [tilespmem:v10+s3+$0x0], $0xffff  }
0x161: {  	v0 =	vadd.s32 $0x1F4, v4;
	[tilespmem:s28+$0xC440] =	vst v59;
	v10 =	vld.idx.msk [tilespmem:v16+s3+$0x0], $0xffff  }
0x162: {  	v46 =	vadd.s32 $0xC8, v7;
	[tilespmem:s28+$0xC450] =	vst v61;
	v50 =	vld.idx.msk [tilespmem:v50+s3+$0x0], $0xffff  }
0x163: {  	v48 =	vadd.s32 $0xC8, v8;
	v53 =	vld.idx.msk [tilespmem:v53+s3+$0x0], $0xffff;
	[tilespmem:s28+$0xD400] =	vst v6  }
0x164: {  	s30 =	sadd.s32 $0xC400, s28;
	v51 =	vadd.s32 $0xC8, v43;
	[tilespmem:s28+$0xD410] =	vst v63;
	v41 =	vld.idx.msk [tilespmem:v41+s3+$0x0], $0xffff  }
0x165: {  	v54 =	vadd.s32 $0xC8, v5;
	v59 =	vld.idx.msk [tilespmem:v44+s3+$0x0], $0xffff;
	[tilespmem:s30+$0x4070] =	vst v62  }
0x166: {  	v45 =	vadd.s32 $0x12C, v40;
	v0 =	vld.idx.msk [tilespmem:v0+s3+$0x0], $0xffff;
	[tilespmem:s28+$0xD420] =	vst v1  }
0x167: {  	v1 =	vadd.s32 $0x258, v4;
	[tilespmem:s28+$0xD430] =	vst v10;
	v61 =	vld.idx.msk [tilespmem:v46+s3+$0x0], $0xffff  }
0x168: {  	[tilespmem:s28+$0xD440] =	vst v50;
	v10 =	vld.idx.msk [tilespmem:v48+s3+$0x0], $0xffff  }
0x169: {  	v42 =	vadd.s32 $0x12C, v9;
	[tilespmem:s28+$0xD450] =	vst v53;
	v62 =	vld.idx.msk [tilespmem:v51+s3+$0x0], $0xffff  }
0x16a: {  	v47 =	vadd.s32 $0x12C, v7;
	v63 =	vld.idx.msk [tilespmem:v54+s3+$0x0], $0xffff;
	[tilespmem:s28+$0xE410] =	vst v59  }
0x16b: {  	v49 =	vadd.s32 $0x12C, v8;
	v54 =	vld.idx.msk [tilespmem:v45+s3+$0x0], $0xffff;
	[tilespmem:s30+$0x5070] =	vst v0  }
0x16c: {  	v52 =	vadd.s32 $0x12C, v43;
	[tilespmem:s28+$0xE400] =	vst v41;
	v0 =	vld.idx.msk [tilespmem:v1+s3+$0x0], $0xffff  }
0x16d: {  	v57 =	vadd.s32 $0x12C, v5;
	v1 =	vld.idx.msk [tilespmem:v22+s3+$0x0], $0xffff;
	[tilespmem:s28+$0xE420] =	vst v61  }
0x16e: {  	v53 =	vadd.s32 $0x2BC, v4;
	v22 =	vld.idx.msk [tilespmem:v42+s3+$0x0], $0xffff;
	[tilespmem:s28+$0xE430] =	vst v10  }
0x16f: {  	[tilespmem:s28+$0xE440] =	vst v62;
	v10 =	vld.idx.msk [tilespmem:v47+s3+$0x0], $0xffff  }
0x170: {  	v32 =	vadd.s32 $0x190, v9;
	[tilespmem:s28+$0xE450] =	vst v63;
	v59 =	vld.idx.msk [tilespmem:v49+s3+$0x0], $0xffff  }
0x171: {  	v55 =	vadd.s32 $0x190, v40;
	v61 =	vld.idx.msk [tilespmem:v52+s3+$0x0], $0xffff;
	[tilespmem:s30+$0x6070] =	vst v0  }
0x172: {  	v56 =	vadd.s32 $0x190, v7;
	[tilespmem:s28+$0xF460] =	vst v1;
	v1 =	vld.idx.msk [tilespmem:v57+s3+$0x0], $0xffff  }
0x173: {  	v58 =	vadd.s32 $0x190, v8;
	[tilespmem:s28+$0xF410] =	vst v54;
	v0 =	vld.idx.msk [tilespmem:v53+s3+$0x0], $0xffff  }
0x174: {  	v60 =	vadd.s32 $0x190, v43;
	[tilespmem:s28+$0xF400] =	vst v22;
	v17 =	vld.idx.msk [tilespmem:v17+s3+$0x0], $0xffff  }
0x175: {  	v39 =	vadd.s32 $0x190, v5;
	v32 =	vld.idx.msk [tilespmem:v32+s3+$0x0], $0xffff;
	[tilespmem:s28+$0xF420] =	vst v10  }
0x176: {  	v22 =	vadd.s32 $0x320, v4;
	v10 =	vld.idx.msk [tilespmem:v55+s3+$0x0], $0xffff;
	[tilespmem:s28+$0xF430] =	vst v59  }
0x177: {  	[tilespmem:s28+$0xF440] =	vst v61;
	v62 =	vld.idx.msk [tilespmem:v56+s3+$0x0], $0xffff  }
0x178: {  	v26 =	vadd.s32 $0x1F4, v9;
	v63 =	vld.idx.msk [tilespmem:v58+s3+$0x0], $0xffff;
	[tilespmem:s28+$0xF450] =	vst v1  }
0x179: {  	v38 =	vadd.s32 $0x1F4, v40;
	v1 =	vld.idx.msk [tilespmem:v60+s3+$0x0], $0xffff;
	[tilespmem:s30+$0x7070] =	vst v0  }
0x17a: {  	v37 =	vadd.s32 $0x1F4, v7;
	[tilespmem:s30+$0x4060] =	vst v17;
	v17 =	vld.idx.msk [tilespmem:v39+s3+$0x0], $0xffff  }
0x17b: {  	v34 =	vadd.s32 $0x1F4, v8;
	[tilespmem:s28+$0x10400] =	vst v32;
	v0 =	vld.idx.msk [tilespmem:v22+s3+$0x0], $0xffff  }
0x17c: {  	v4 =	vadd.s32 $0x384, v4;
	[tilespmem:s30+$0x4010] =	vst v10;
	v10 =	vld.idx.msk [tilespmem:v11+s3+$0x0], $0xffff  }
0x17d: {  	v35 =	vadd.s32 $0x1F4, v5;
	v11 =	vld.idx.msk [tilespmem:v26+s3+$0x0], $0xffff;
	[tilespmem:s30+$0x4020] =	vst v62  }
0x17e: {  	v36 =	vadd.s32 $0x1F4, v43;
	v22 =	vld.idx.msk [tilespmem:v38+s3+$0x0], $0xffff;
	[tilespmem:s30+$0x4030] =	vst v63  }
0x17f: {  	v26 =	vld.idx.msk [tilespmem:v37+s3+$0x0], $0xffff;
	[tilespmem:s30+$0x4040] =	vst v1  }
0x180: {  	v2 =	vmov v24;
	v24 =	vadd.s32 $0x258, v9;
	v1 =	vld.idx.msk [tilespmem:v34+s3+$0x0], $0xffff;
	[tilespmem:s30+$0x8070] =	vst v0  }
0x181: {  	[tilespmem:s30+$0x4050] =	vst v17;
	v0 =	vld.idx.msk [tilespmem:v4+s3+$0x0], $0xffff  }
0x182: {  	v28 =	vadd.s32 $0x258, v40;
	[tilespmem:s30+$0x5060] =	vst v10;
	v10 =	vld.idx.msk [tilespmem:v35+s3+$0x0], $0xffff  }
0x183: {  	v33 =	vadd.s32 $0x258, v7;
	v4 =	vld.idx.msk [tilespmem:v36+s3+$0x0], $0xffff  }
0x184: {  	v30 =	vadd.s32 $0x258, v8;
	[tilespmem:s28+$0x11400] =	vst v11;
	v3 =	vld.idx.msk [tilespmem:v3+s3+$0x0], $0xffff  }
0x185: {  	v31 =	vadd.s32 $0x258, v5;
	[tilespmem:s30+$0x5010] =	vst v22;
	v32 =	vld.idx.msk [tilespmem:v24+s3+$0x0], $0xffff  }
0x186: {  	[tilespmem:s30+$0x9070] =	vst v0;
	v0 =	vld [tilespmem:$0x1FFD0]  }
0x187: {  	v29 =	vadd.s32 $0x258, v43;
	[tilespmem:s30+$0x5020] =	vst v26;
	v28 =	vld.idx.msk [tilespmem:v28+s3+$0x0], $0xffff  }
0x188: {  	s31 =	sadd.s32 $0x8, s31;
	v27 =	vadd.s32 $0x2BC, v9;
	v11 =	vld.idx.msk [tilespmem:v33+s3+$0x0], $0xffff;
	[tilespmem:s30+$0x5030] =	vst v1  }
0x189: {  	p0 =	slt.u32 s31, $0xF8;
	v25 =	vadd.s32 $0x2BC, v40;
	v23 =	vadd.s32 $0x2BC, v7;
	v17 =	vld.idx.msk [tilespmem:v30+s3+$0x0], $0xffff;
	[tilespmem:s30+$0x5050] =	vst v10  }
.Ltmp1:
0x18a: {  	v14 =	vadd.s32 $0x320, v8;
	v15 =	vadd.s32 $0x320, v9;
	v18 =	vadd.s32 $0x320, v40;
	[tilespmem:s30+$0x5040] =	vst v4;
	v24 =	vld.idx.msk [tilespmem:v31+s3+$0x0], $0xffff;
	(pc) =	sbr.rel @p0 .LBB2_5-.Ltmp1, $4  }
0x18b: {  	v9 =	vadd.s32 $0x384, v9;
	v40 =	vadd.s32 $0x384, v40;
	v13 =	vadd.s32 $0x320, v5;
	[tilespmem:s28+$0x12400] =	vst v32;
	v32 =	vld [tilespmem:$0x1FFC0]  }
0x18c: {  	v12 =	vadd.s32 $0x320, v43;
	v20 =	vadd.s32 $0x2BC, v8;
	v21 =	vadd.s32 $0x2BC, v43;
	v22 =	vld.idx.msk [tilespmem:v29+s3+$0x0], $0xffff  }
0x18d: {  	v19 =	vadd.s32 $0x2BC, v5;
	v8 =	vadd.s32 $0x384, v8;
	v5 =	vadd.s32 $0x384, v5;
	v31 =	vmovc v2;
	[tilespmem:s30+$0x6060] =	vst v3;
	v2 =	vld.idx.msk [tilespmem:v27+s3+$0x0], $0xffff  }
0x18e: {  	s1 =	sadd.s32 $0x1, s1;
	v16 =	vadd.s32 $0x320, v7;
	v7 =	vadd.s32 $0x384, v7;
	v6 =	vadd.s32 $0x384, v43;
	[tilespmem:s30+$0x6010] =	vst v28;
	v26 =	vld.idx.msk [tilespmem:v0+s3+$0x0], $0xffff  }
0x18f: {  	_ =	sdelay $0x2  }
0x190: {  	[tilespmem:s30+$0x6020] =	vst v11  }
0x191: {  	v0 =	vld.idx.msk [tilespmem:v25+s3+$0x0], $0xffff;
	[tilespmem:s30+$0x6030] =	vst v17  }
0x192: {  	[tilespmem:s30+$0x6050] =	vst v24;
	v1 =	vld.idx.msk [tilespmem:v23+s3+$0x0], $0xffff  }
0x193: {  	v3 =	vld.idx.msk [tilespmem:v20+s3+$0x0], $0xffff;
	[tilespmem:s30+$0x6040] =	vst v22  }
0x194: {  	v50 =	vld.idx.msk [tilespmem:v19+s3+$0x0], $0xffff;
	[tilespmem:s28+$0x13400] =	vst v2  }
0x195: {  	v4 =	vld.idx.msk [tilespmem:v21+s3+$0x0], $0xffff;
	[tilespmem:s30+$0x7060] =	vst v26  }
0x196: {  	v52 =	vld.idx.msk [tilespmem:v15+s3+$0x0], $0xffff;
	[tilespmem:s30+$0x7010] =	vst v0  }
0x197: {  	v51 =	vld.idx.msk [tilespmem:v32+s3+$0x0], $0xffff;
	[tilespmem:s30+$0x7020] =	vst v1  }
0x198: {  	[tilespmem:s30+$0x7030] =	vst v3;
	v53 =	vld.idx.msk [tilespmem:v18+s3+$0x0], $0xffff  }
0x199: {  	[tilespmem:s30+$0x7050] =	vst v50;
	v54 =	vld.idx.msk [tilespmem:v16+s3+$0x0], $0xffff  }
0x19a: {  	v10 =	vld.idx.msk [tilespmem:v14+s3+$0x0], $0xffff;
	[tilespmem:s30+$0x7040] =	vst v4  }
0x19b: {  	v56 =	vld.idx.msk [tilespmem:v13+s3+$0x0], $0xffff;
	[tilespmem:s28+$0x14400] =	vst v52  }
0x19c: {  	v55 =	vld.idx.msk [tilespmem:v12+s3+$0x0], $0xffff;
	[tilespmem:s30+$0x8060] =	vst v51  }
0x19d: {  	v58 =	vld.idx.msk [tilespmem:v9+s3+$0x0], $0xffff;
	[tilespmem:s30+$0x8010] =	vst v53  }
0x19e: {  	v57 =	vld.idx.msk [tilespmem:v31+s3+$0x0], $0xffff;
	[tilespmem:s30+$0x8020] =	vst v54  }
0x19f: {  	[tilespmem:s30+$0x8030] =	vst v10;
	v59 =	vld.idx.msk [tilespmem:v40+s3+$0x0], $0xffff  }
0x1a0: {  	[tilespmem:s30+$0x8050] =	vst v56;
	v60 =	vld.idx.msk [tilespmem:v7+s3+$0x0], $0xffff  }
0x1a1: {  	v61 =	vld.idx.msk [tilespmem:v8+s3+$0x0], $0xffff;
	[tilespmem:s30+$0x8040] =	vst v55  }
0x1a2: {  	v63 =	vld.idx.msk [tilespmem:v5+s3+$0x0], $0xffff;
	[tilespmem:s28+$0x15400] =	vst v58  }
0x1a3: {  	v62 =	vld.idx.msk [tilespmem:v6+s3+$0x0], $0xffff;
	[tilespmem:s30+$0x9060] =	vst v57  }
0x1a4: {  	p0 =	seq.s32 s25, $0xB;
	[tilespmem:s30+$0x9010] =	vst v59  }
.Ltmp2:
0x1a5: {  	[tilespmem:s30+$0x9020] =	vst v60;
	(pc) =	sbr.rel @p0 .LBB2_8-.Ltmp2, $4  }
0x1a6: {  	[tilespmem:s30+$0x9030] =	vst v61  }
0x1a7: {  	[tilespmem:s30+$0x9050] =	vst v63  }
0x1a8: {  	s0 =	sadd.s32 s11, s26;
	[tilespmem:s30+$0x9040] =	vst v62  }
0x1a9: {  	[hbm4b:s0+s17] =	stream.strided.scatter [tilespmem:s21], [sflag:$0x4], $0xA000, s18, s17, $0x38;
	[tilespmem:$0x16400] =	vst v63  }
.Ltmp3:
0x1aa: {  	(pc) =	sbr.rel .LBB2_2-.Ltmp3, $3  }
0x1ab: {  	_ =	sdelay $0x1  }
0x1ac: {  	s0 =	sadd.s32 s12, s26;
	s25 =	sadd.s32 $0x1, s25  }
0x1ad: {  	[tilespmem:s15], [sflag:$0x2] =	stream.linear.gather [hbm4b:s0+s3], $0x1000, $0x38;
	[tilespmem:$0x16400] =	vst v63  }
.LBB2_8:
0x1ae: {  	_ =	swait.ge [sflag:s16], $0x1000  }
0x1af: {  	s26 =	simm.s32 $0x0;
	[sflag:s16] =	ssyncset.done $0x0  }
0x1b0: {  	s0 =	sand.u32 $0x3, s26;
	[sflag:s16] =	ssyncadd.s32 $0xFFFFF000  }
0x1b1: {  	s0 =	sshll.u32 s0, $0xA;
	_ =	swait.ge [sflag:s22], $0xA000  }
0x1b2: {  	s0 =	sadd.s32 $0x0, s0;
	[sflag:s22] =	ssyncset.done $0x0  }
0x1b3: {  	s1 =	sor.u32 $0x70, s0;
	[sflag:s22] =	ssyncadd.s32 $0xFFFF6000  }
0x1b4: {  	v1 =	vld [tilespmem:s1+$0x400]  }
0x1b5: {  	s0 =	sor.u32 $0x60, s0  }
0x1b6: {  	v0 =	vld [tilespmem:s0+$0x400];
	_ =	sdelay $0x2  }
0x1b7: {  	s30 =	sand.u32 $0xC00, s26;
	s31 =	sand.u32 $0x380, s26  }
0x1b8: {  	s25 =	sor.u32 s31, s30  }
0x1b9: {  	v6 =	vld [tilespmem:s25+$0x420]  }
0x1ba: {  	v2 =	vld.idx.msk [tilespmem:v1+s3+$0x0], $0xffff  }
0x1bb: {  	v3 =	vadd.s32 $0x64, v1  }
0x1bc: {  	v4 =	vld.idx.msk [tilespmem:v0+s3+$0x0], $0xffff  }
0x1bd: {  	v5 =	vadd.s32 $0x64, v0;
	_ =	sdelay $0x1  }
0x1be: {  	[tilespmem:s1+$0x2400] =	vst v2  }
0x1bf: {  	v2 =	vld.idx.msk [tilespmem:v3+s3+$0x0], $0xffff  }
0x1c0: {  	v14 =	vld.idx.msk [tilespmem:v6+s3+$0x0], $0xffff;
	[tilespmem:s0+$0x2400] =	vst v4;
	v3 =	vadd.s32 $0xC8, v1  }
0x1c1: {  	v4 =	vld.idx.msk [tilespmem:v5+s3+$0x0], $0xffff  }
0x1c2: {  	v5 =	vld [tilespmem:s25+$0x410]  }
0x1c3: {  	v7 =	vld [tilespmem:s25+$0x400];
	v17 =	vadd.s32 $0x64, v6  }
0x1c4: {  	v9 =	vadd.s32 $0xC8, v0;
	[tilespmem:s25+$0x3470] =	vst v2;
	v2 =	vld [tilespmem:s25+$0x430]  }
0x1c5: {  	v8 =	vld.idx.msk [tilespmem:v3+s3+$0x0], $0xffff  }
0x1c6: {  	v10 =	vadd.s32 $0x12C, v1;
	[tilespmem:s25+$0x3460] =	vst v4;
	v4 =	vld [tilespmem:s25+$0x450]  }
0x1c7: {  	[tilespmem:s25+$0x2420] =	vst v14;
	v3 =	vld [tilespmem:s25+$0x440]  }
0x1c8: {  	v17 =	vld.idx.msk [tilespmem:v17+s3+$0x0], $0xffff  }
0x1c9: {  	v9 =	vld.idx.msk [tilespmem:v9+s3+$0x0], $0xffff  }
0x1ca: {  	v11 =	vld.idx.msk [tilespmem:v5+s3+$0x0], $0xffff;
	[tilespmem:s25+$0x4470] =	vst v8  }
0x1cb: {  	v15 =	vadd.s32 $0x64, v5;
	v8 =	vld.idx.msk [tilespmem:v10+s3+$0x0], $0xffff  }
0x1cc: {  	v12 =	vadd.s32 $0x190, v1;
	v10 =	vld.idx.msk [tilespmem:v7+s3+$0x0], $0xffff  }
0x1cd: {  	v16 =	vld.idx.msk [tilespmem:v2+s3+$0x0], $0xffff  }
0x1ce: {  	v13 =	vadd.s32 $0x64, v7;
	[tilespmem:s25+$0x4460] =	vst v9;
	v19 =	vld.idx.msk [tilespmem:v4+s3+$0x0], $0xffff  }
0x1cf: {  	v9 =	vadd.s32 $0x64, v2;
	[tilespmem:s25+$0x2410] =	vst v11;
	v18 =	vld.idx.msk [tilespmem:v3+s3+$0x0], $0xffff  }
0x1d0: {  	v11 =	vld.idx.msk [tilespmem:v15+s3+$0x0], $0xffff;
	[tilespmem:s25+$0x5470] =	vst v8;
	v8 =	vadd.s32 $0x64, v3  }
0x1d1: {  	[tilespmem:s25+$0x2400] =	vst v10;
	v10 =	vld.idx.msk [tilespmem:v12+s3+$0x0], $0xffff;
	v12 =	vadd.s32 $0x64, v4  }
0x1d2: {  	[tilespmem:s25+$0x2430] =	vst v16;
	v16 =	vadd.s32 $0xC8, v5  }
0x1d3: {  	v14 =	vadd.s32 $0x1F4, v1;
	[tilespmem:s25+$0x3420] =	vst v17;
	v13 =	vld.idx.msk [tilespmem:v13+s3+$0x0], $0xffff  }
0x1d4: {  	v15 =	vadd.s32 $0xC8, v7;
	v9 =	vld.idx.msk [tilespmem:v9+s3+$0x0], $0xffff;
	[tilespmem:s25+$0x2440] =	vst v18  }
0x1d5: {  	[tilespmem:s25+$0x2450] =	vst v19;
	v18 =	vadd.s32 $0xC8, v6;
	v8 =	vld.idx.msk [tilespmem:v8+s3+$0x0], $0xffff  }
0x1d6: {  	v19 =	vadd.s32 $0xC8, v2;
	[tilespmem:s25+$0x3410] =	vst v11;
	v12 =	vld.idx.msk [tilespmem:v12+s3+$0x0], $0xffff  }
0x1d7: {  	[tilespmem:s25+$0x6470] =	vst v10;
	v10 =	vadd.s32 $0xC8, v3;
	v11 =	vld.idx.msk [tilespmem:v16+s3+$0x0], $0xffff  }
0x1d8: {  	v17 =	vadd.s32 $0x12C, v0;
	[tilespmem:s25+$0x3400] =	vst v13;
	v13 =	vld.idx.msk [tilespmem:v14+s3+$0x0], $0xffff  }
0x1d9: {  	v14 =	vadd.s32 $0xC8, v4;
	v15 =	vld.idx.msk [tilespmem:v15+s3+$0x0], $0xffff  }
0x1da: {  	v16 =	vadd.s32 $0x258, v1;
	v18 =	vld.idx.msk [tilespmem:v18+s3+$0x0], $0xffff;
	[tilespmem:s25+$0x3430] =	vst v9  }
0x1db: {  	v9 =	vadd.s32 $0x12C, v7;
	v19 =	vld.idx.msk [tilespmem:v19+s3+$0x0], $0xffff;
	[tilespmem:s25+$0x3440] =	vst v8  }
0x1dc: {  	v8 =	vadd.s32 $0x12C, v5;
	v10 =	vld.idx.msk [tilespmem:v10+s3+$0x0], $0xffff;
	[tilespmem:s25+$0x3450] =	vst v12  }
0x1dd: {  	v12 =	vadd.s32 $0x12C, v6;
	[tilespmem:s25+$0x4410] =	vst v11;
	v11 =	vld.idx.msk [tilespmem:v17+s3+$0x0], $0xffff  }
0x1de: {  	v14 =	vld.idx.msk [tilespmem:v14+s3+$0x0], $0xffff;
	[tilespmem:s25+$0x7470] =	vst v13;
	v13 =	vadd.s32 $0x12C, v2  }
0x1df: {  	[tilespmem:s25+$0x4400] =	vst v15;
	v15 =	vld.idx.msk [tilespmem:v16+s3+$0x0], $0xffff;
	v16 =	vadd.s32 $0x12C, v3  }
0x1e0: {  	[tilespmem:s25+$0x4420] =	vst v18;
	v18 =	vadd.s32 $0x12C, v4;
	v9 =	vld.idx.msk [tilespmem:v9+s3+$0x0], $0xffff  }
0x1e1: {  	v17 =	vadd.s32 $0x2BC, v1;
	[tilespmem:s25+$0x4430] =	vst v19;
	v8 =	vld.idx.msk [tilespmem:v8+s3+$0x0], $0xffff  }
0x1e2: {  	v19 =	vadd.s32 $0x190, v0;
	v12 =	vld.idx.msk [tilespmem:v12+s3+$0x0], $0xffff;
	[tilespmem:s25+$0x4440] =	vst v10  }
0x1e3: {  	v10 =	vadd.s32 $0x190, v7;
	v13 =	vld.idx.msk [tilespmem:v13+s3+$0x0], $0xffff;
	[tilespmem:s25+$0x4450] =	vst v14  }
0x1e4: {  	v14 =	vadd.s32 $0x190, v5;
	v16 =	vld.idx.msk [tilespmem:v16+s3+$0x0], $0xffff;
	[tilespmem:s25+$0x8470] =	vst v15  }
0x1e5: {  	v15 =	vadd.s32 $0x190, v6;
	[tilespmem:s25+$0x5400] =	vst v9;
	v9 =	vld.idx.msk [tilespmem:v18+s3+$0x0], $0xffff  }
0x1e6: {  	[tilespmem:s25+$0x5460] =	vst v11;
	v11 =	vld.idx.msk [tilespmem:v17+s3+$0x0], $0xffff;
	v17 =	vadd.s32 $0x190, v2  }
0x1e7: {  	v18 =	vadd.s32 $0x320, v1;
	[tilespmem:s25+$0x5410] =	vst v8;
	v8 =	vld.idx.msk [tilespmem:v19+s3+$0x0], $0xffff  }
0x1e8: {  	v19 =	vadd.s32 $0x190, v3;
	v10 =	vld.idx.msk [tilespmem:v10+s3+$0x0], $0xffff;
	[tilespmem:s25+$0x5420] =	vst v12  }
0x1e9: {  	v12 =	vadd.s32 $0x190, v4;
	v14 =	vld.idx.msk [tilespmem:v14+s3+$0x0], $0xffff;
	[tilespmem:s25+$0x5430] =	vst v13  }
0x1ea: {  	v13 =	vadd.s32 $0x1F4, v0;
	v15 =	vld.idx.msk [tilespmem:v15+s3+$0x0], $0xffff;
	[tilespmem:s25+$0x5440] =	vst v16  }
0x1eb: {  	v16 =	vadd.s32 $0x1F4, v7;
	v17 =	vld.idx.msk [tilespmem:v17+s3+$0x0], $0xffff;
	[tilespmem:s25+$0x9470] =	vst v11  }
0x1ec: {  	[tilespmem:s25+$0x5450] =	vst v9;
	v11 =	vadd.s32 $0x1F4, v5;
	v9 =	vld.idx.msk [tilespmem:v18+s3+$0x0], $0xffff  }
0x1ed: {  	v18 =	vadd.s32 $0x1F4, v6;
	v19 =	vld.idx.msk [tilespmem:v19+s3+$0x0], $0xffff;
	[tilespmem:s25+$0x6460] =	vst v8  }
0x1ee: {  	v1 =	vadd.s32 $0x384, v1;
	[tilespmem:s25+$0x6400] =	vst v10;
	v8 =	vld.idx.msk [tilespmem:v12+s3+$0x0], $0xffff  }
0x1ef: {  	v10 =	vadd.s32 $0x1F4, v2;
	[tilespmem:s25+$0x6410] =	vst v14;
	v12 =	vld.idx.msk [tilespmem:v13+s3+$0x0], $0xffff  }
0x1f0: {  	v13 =	vadd.s32 $0x1F4, v3;
	v14 =	vld.idx.msk [tilespmem:v16+s3+$0x0], $0xffff;
	[tilespmem:s25+$0x6420] =	vst v15  }
0x1f1: {  	v15 =	vadd.s32 $0x1F4, v4;
	v11 =	vld.idx.msk [tilespmem:v11+s3+$0x0], $0xffff;
	[tilespmem:s25+$0x6430] =	vst v17  }
0x1f2: {  	v16 =	vadd.s32 $0x258, v0;
	v17 =	vld.idx.msk [tilespmem:v18+s3+$0x0], $0xffff;
	[tilespmem:s25+$0xA470] =	vst v9  }
0x1f3: {  	v9 =	vadd.s32 $0x258, v7;
	[tilespmem:s25+$0x6440] =	vst v19;
	v18 =	vld.idx.msk [tilespmem:v1+s3+$0x0], $0xffff  }
0x1f4: {  	v19 =	vadd.s32 $0x258, v5;
	v10 =	vld.idx.msk [tilespmem:v10+s3+$0x0], $0xffff;
	[tilespmem:s25+$0x6450] =	vst v8  }
0x1f5: {  	v8 =	vadd.s32 $0x258, v6;
	v13 =	vld.idx.msk [tilespmem:v13+s3+$0x0], $0xffff;
	[tilespmem:s25+$0x7460] =	vst v12  }
0x1f6: {  	v12 =	vadd.s32 $0x258, v2;
	[tilespmem:s25+$0x7400] =	vst v14;
	v14 =	vld.idx.msk [tilespmem:v15+s3+$0x0], $0xffff  }
0x1f7: {  	v22 =	vadd.s32 $0x258, v3;
	v26 =	vld.idx.msk [tilespmem:v16+s3+$0x0], $0xffff;
	[tilespmem:s25+$0x7410] =	vst v11  }
0x1f8: {  	v24 =	vadd.s32 $0x258, v4;
	v27 =	vld.idx.msk [tilespmem:v9+s3+$0x0], $0xffff;
	[tilespmem:s25+$0x7420] =	vst v17  }
0x1f9: {  	v28 =	vadd.s32 $0x2BC, v0;
	v32 =	vadd.s32 $0x320, v0;
	v31 =	vadd.s32 $0x384, v0;
	v29 =	vld.idx.msk [tilespmem:v19+s3+$0x0], $0xffff;
	[tilespmem:s25+$0xB470] =	vst v18  }
0x1fa: {  	v30 =	vadd.s32 $0x2BC, v7;
	v23 =	vadd.s32 $0x2BC, v6;
	v25 =	vadd.s32 $0x2BC, v5;
	v11 =	vld.idx.msk [tilespmem:v8+s3+$0x0], $0xffff;
	[tilespmem:s25+$0x7430] =	vst v10  }
0x1fb: {  	v40 =	vadd.s32 $0x384, v5;
	v20 =	vadd.s32 $0x2BC, v2;
	v21 =	vadd.s32 $0x2BC, v3;
	v17 =	vld.idx.msk [tilespmem:v12+s3+$0x0], $0xffff;
	[tilespmem:s25+$0x7440] =	vst v13  }
0x1fc: {  	v15 =	vadd.s32 $0x320, v7;
	v16 =	vadd.s32 $0x320, v6;
	v19 =	vadd.s32 $0x2BC, v4;
	v22 =	vld.idx.msk [tilespmem:v22+s3+$0x0], $0xffff;
	[tilespmem:s25+$0x7450] =	vst v14  }
0x1fd: {  	v9 =	vadd.s32 $0x384, v7;
	v7 =	vadd.s32 $0x384, v6;
	v6 =	vadd.s32 $0x384, v3;
	[tilespmem:s25+$0x8460] =	vst v26;
	v24 =	vld.idx.msk [tilespmem:v24+s3+$0x0], $0xffff  }
0x1fe: {  	v18 =	vadd.s32 $0x320, v5;
	v8 =	vadd.s32 $0x384, v2;
	v5 =	vadd.s32 $0x384, v4;
	v26 =	vld.idx.msk [tilespmem:v28+s3+$0x0], $0xffff;
	[tilespmem:s25+$0x8400] =	vst v27  }
0x1ff: {  	s28 =	simm.s32 $0x0;
	s1 =	simm.s32 $0x1;
	s0 =	simm.s32 $0x0;
	v12 =	vadd.s32 $0x320, v3;
	v13 =	vadd.s32 $0x320, v4;
	v14 =	vadd.s32 $0x320, v2;
	[tilespmem:s25+$0x8410] =	vst v29;
	v2 =	vld.idx.msk [tilespmem:v30+s3+$0x0], $0xffff  }
.LBB2_9:
0x200: {  	s5 =	sand.u32 $0x3, s1  }
0x201: {  	s26 =	sadd.s32 $0x20, s26;
	s5 =	sshll.u32 s5, $0xA  }
0x202: {  	s5 =	sadd.s32 s5, s26  }
0x203: {  	v3 =	vld.idx.msk [tilespmem:v25+s3+$0x0], $0xffff;
	s6 =	sor.u32 $0x60, s5;
	s5 =	sor.u32 $0x70, s5  }
0x204: {  	[tilespmem:s25+$0x8420] =	vst v11;
	v4 =	vld [tilespmem:s5+$0x400]  }
0x205: {  	[tilespmem:s25+$0x8430] =	vst v17;
	v11 =	vld.idx.msk [tilespmem:v23+s3+$0x0], $0xffff  }
0x206: {  	[tilespmem:s25+$0x8440] =	vst v22;
	v17 =	vld.idx.msk [tilespmem:v20+s3+$0x0], $0xffff  }
0x207: {  	[tilespmem:s25+$0x9460] =	vst v26;
	v20 =	vld.idx.msk [tilespmem:v21+s3+$0x0], $0xffff  }
0x208: {  	[tilespmem:s25+$0x8450] =	vst v24;
	v21 =	vld [tilespmem:s6+$0x400]  }
0x209: {  	v19 =	vld.idx.msk [tilespmem:v19+s3+$0x0], $0xffff  }
0x20a: {  	[tilespmem:s25+$0x9400] =	vst v2;
	v23 =	vld.idx.msk [tilespmem:v32+s3+$0x0], $0xffff  }
0x20b: {  	[tilespmem:s25+$0x9410] =	vst v3;
	v15 =	vld.idx.msk [tilespmem:v15+s3+$0x0], $0xffff  }
0x20c: {  	v18 =	vld.idx.msk [tilespmem:v18+s3+$0x0], $0xffff;
	[tilespmem:s25+$0x9420] =	vst v11  }
0x20d: {  	[tilespmem:s25+$0x9430] =	vst v17;
	v16 =	vld.idx.msk [tilespmem:v16+s3+$0x0], $0xffff  }
0x20e: {  	[tilespmem:s25+$0x9440] =	vst v20;
	v14 =	vld.idx.msk [tilespmem:v14+s3+$0x0], $0xffff  }
0x20f: {  	[tilespmem:s25+$0x9450] =	vst v19;
	v12 =	vld.idx.msk [tilespmem:v12+s3+$0x0], $0xffff  }
0x210: {  	v0 =	vadd.s32 $0x2BC, v21;
	[tilespmem:s25+$0xA400] =	vst v15;
	v13 =	vld.idx.msk [tilespmem:v13+s3+$0x0], $0xffff  }
0x211: {  	[tilespmem:$0x1FFB0] =	vst v0;
	v9 =	vld.idx.msk [tilespmem:v9+s3+$0x0], $0xffff  }
0x212: {  	[tilespmem:s25+$0xA410] =	vst v18;
	v26 =	vld.idx.msk [tilespmem:v4+s3+$0x0], $0xffff  }
0x213: {  	v20 =	vadd.s32 $0x64, v21;
	v25 =	vadd.s32 $0xC8, v21;
	v22 =	vadd.s32 $0x12C, v21;
	v19 =	vld.idx.msk [tilespmem:v21+s3+$0x0], $0xffff;
	[tilespmem:s25+$0xA460] =	vst v23  }
0x214: {  	v17 =	vadd.s32 $0x190, v21;
	v11 =	vadd.s32 $0x1F4, v21;
	v3 =	vadd.s32 $0x258, v21;
	v10 =	vld.idx.msk [tilespmem:v40+s3+$0x0], $0xffff;
	[tilespmem:s25+$0xA420] =	vst v16  }
0x215: {  	v24 =	vadd.s32 $0x384, v21;
	v0 =	vadd.s32 $0x320, v21;
	v21 =	vadd.s32 $0x64, v4;
	v15 =	vld.idx.msk [tilespmem:v31+s3+$0x0], $0xffff;
	[tilespmem:s25+$0xA430] =	vst v14  }
0x216: {  	[tilespmem:s25+$0xA440] =	vst v12;
	v7 =	vld.idx.msk [tilespmem:v7+s3+$0x0], $0xffff  }
0x217: {  	[tilespmem:s25+$0xA450] =	vst v13;
	v8 =	vld.idx.msk [tilespmem:v8+s3+$0x0], $0xffff  }
0x218: {  	s0 =	sadd.s32 $0x400, s0;
	[tilespmem:s25+$0xB400] =	vst v9;
	v6 =	vld.idx.msk [tilespmem:v6+s3+$0x0], $0xffff  }
0x219: {  	s30 =	sand.u32 $0xC00, s0;
	s31 =	sand.u32 $0x380, s26;
	[tilespmem:s5+$0x2400] =	vst v26;
	v5 =	vld.idx.msk [tilespmem:v5+s3+$0x0], $0xffff  }
0x21a: {  	s5 =	sor.u32 s31, s30;
	[tilespmem:s25+$0xB410] =	vst v10;
	v14 =	vld.idx.msk [tilespmem:v21+s3+$0x0], $0xffff  }
0x21b: {  	v12 =	vadd.s32 $0xC8, v4;
	[tilespmem:s6+$0x2400] =	vst v19;
	v9 =	vld [tilespmem:s5+$0x400]  }
0x21c: {  	v16 =	vld.idx.msk [tilespmem:v20+s3+$0x0], $0xffff;
	[tilespmem:s25+$0xB460] =	vst v15  }
0x21d: {  	v40 =	vld [tilespmem:s5+$0x410];
	[tilespmem:s25+$0xB420] =	vst v7  }
0x21e: {  	[tilespmem:s25+$0xB430] =	vst v8;
	v7 =	vld [tilespmem:s5+$0x420]  }
0x21f: {  	[tilespmem:s5+$0x3470] =	vst v14;
	v8 =	vld [tilespmem:s5+$0x430]  }
0x220: {  	[tilespmem:s25+$0xB440] =	vst v6;
	v10 =	vld.idx.msk [tilespmem:v12+s3+$0x0], $0xffff  }
0x221: {  	[tilespmem:s25+$0xB450] =	vst v5;
	s25 =	smov.u32 s5;
	v43 =	vld [tilespmem:s5+$0x440];
	v12 =	vadd.s32 $0x12C, v4  }
0x222: {  	v5 =	vld [tilespmem:s25+$0x450];
	[tilespmem:s5+$0x3460] =	vst v16  }
0x223: {  	v14 =	vld.idx.msk [tilespmem:v25+s3+$0x0], $0xffff  }
0x224: {  	v15 =	vld.idx.msk [tilespmem:v9+s3+$0x0], $0xffff  }
0x225: {  	v18 =	vld.idx.msk [tilespmem:v40+s3+$0x0], $0xffff;
	[tilespmem:s25+$0x4470] =	vst v10  }
0x226: {  	v6 =	vadd.s32 $0x64, v9;
	v12 =	vld.idx.msk [tilespmem:v12+s3+$0x0], $0xffff  }
0x227: {  	v13 =	vadd.s32 $0x64, v40;
	v20 =	vld.idx.msk [tilespmem:v7+s3+$0x0], $0xffff  }
0x228: {  	[tilespmem:$0x1FFA0] =	vst v0;
	v19 =	vadd.s32 $0x190, v4;
	v21 =	vld.idx.msk [tilespmem:v8+s3+$0x0], $0xffff  }
0x229: {  	v10 =	vadd.s32 $0x64, v7;
	[tilespmem:s25+$0x4460] =	vst v14;
	v59 =	vld.idx.msk [tilespmem:v43+s3+$0x0], $0xffff  }
0x22a: {  	v16 =	vadd.s32 $0x64, v8;
	v61 =	vld.idx.msk [tilespmem:v5+s3+$0x0], $0xffff;
	[tilespmem:s25+$0x2400] =	vst v15  }
0x22b: {  	v50 =	vadd.s32 $0x64, v43;
	[tilespmem:s25+$0x2410] =	vst v18;
	v6 =	vld.idx.msk [tilespmem:v6+s3+$0x0], $0xffff  }
0x22c: {  	v53 =	vadd.s32 $0x64, v5;
	v63 =	vld.idx.msk [tilespmem:v13+s3+$0x0], $0xffff;
	[tilespmem:s25+$0x5470] =	vst v12  }
0x22d: {  	v41 =	vadd.s32 $0xC8, v9;
	v62 =	vld.idx.msk [tilespmem:v19+s3+$0x0], $0xffff;
	[tilespmem:s25+$0x2420] =	vst v20  }
0x22e: {  	v44 =	vadd.s32 $0xC8, v40;
	[tilespmem:s25+$0x2430] =	vst v21;
	v1 =	vld.idx.msk [tilespmem:v10+s3+$0x0], $0xffff  }
0x22f: {  	v0 =	vadd.s32 $0x1F4, v4;
	[tilespmem:s25+$0x2440] =	vst v59;
	v10 =	vld.idx.msk [tilespmem:v16+s3+$0x0], $0xffff  }
0x230: {  	v46 =	vadd.s32 $0xC8, v7;
	[tilespmem:s25+$0x2450] =	vst v61;
	v50 =	vld.idx.msk [tilespmem:v50+s3+$0x0], $0xffff  }
0x231: {  	v48 =	vadd.s32 $0xC8, v8;
	v53 =	vld.idx.msk [tilespmem:v53+s3+$0x0], $0xffff;
	[tilespmem:s25+$0x3400] =	vst v6  }
0x232: {  	v51 =	vadd.s32 $0xC8, v43;
	[tilespmem:s25+$0x3410] =	vst v63;
	v41 =	vld.idx.msk [tilespmem:v41+s3+$0x0], $0xffff  }
0x233: {  	v54 =	vadd.s32 $0xC8, v5;
	v59 =	vld.idx.msk [tilespmem:v44+s3+$0x0], $0xffff;
	[tilespmem:s25+$0x6470] =	vst v62  }
0x234: {  	v45 =	vadd.s32 $0x12C, v40;
	v0 =	vld.idx.msk [tilespmem:v0+s3+$0x0], $0xffff;
	[tilespmem:s25+$0x3420] =	vst v1  }
0x235: {  	v1 =	vadd.s32 $0x258, v4;
	[tilespmem:s25+$0x3430] =	vst v10;
	v61 =	vld.idx.msk [tilespmem:v46+s3+$0x0], $0xffff  }
0x236: {  	[tilespmem:s25+$0x3440] =	vst v50;
	v10 =	vld.idx.msk [tilespmem:v48+s3+$0x0], $0xffff  }
0x237: {  	v42 =	vadd.s32 $0x12C, v9;
	[tilespmem:s25+$0x3450] =	vst v53;
	v62 =	vld.idx.msk [tilespmem:v51+s3+$0x0], $0xffff  }
0x238: {  	v47 =	vadd.s32 $0x12C, v7;
	v63 =	vld.idx.msk [tilespmem:v54+s3+$0x0], $0xffff;
	[tilespmem:s25+$0x4410] =	vst v59  }
0x239: {  	v49 =	vadd.s32 $0x12C, v8;
	v54 =	vld.idx.msk [tilespmem:v45+s3+$0x0], $0xffff;
	[tilespmem:s25+$0x7470] =	vst v0  }
0x23a: {  	v52 =	vadd.s32 $0x12C, v43;
	[tilespmem:s25+$0x4400] =	vst v41;
	v0 =	vld.idx.msk [tilespmem:v1+s3+$0x0], $0xffff  }
0x23b: {  	v57 =	vadd.s32 $0x12C, v5;
	v1 =	vld.idx.msk [tilespmem:v22+s3+$0x0], $0xffff;
	[tilespmem:s25+$0x4420] =	vst v61  }
0x23c: {  	v53 =	vadd.s32 $0x2BC, v4;
	v22 =	vld.idx.msk [tilespmem:v42+s3+$0x0], $0xffff;
	[tilespmem:s25+$0x4430] =	vst v10  }
0x23d: {  	[tilespmem:s25+$0x4440] =	vst v62;
	v10 =	vld.idx.msk [tilespmem:v47+s3+$0x0], $0xffff  }
0x23e: {  	v32 =	vadd.s32 $0x190, v9;
	[tilespmem:s25+$0x4450] =	vst v63;
	v59 =	vld.idx.msk [tilespmem:v49+s3+$0x0], $0xffff  }
0x23f: {  	v55 =	vadd.s32 $0x190, v40;
	v61 =	vld.idx.msk [tilespmem:v52+s3+$0x0], $0xffff;
	[tilespmem:s25+$0x8470] =	vst v0  }
0x240: {  	v56 =	vadd.s32 $0x190, v7;
	[tilespmem:s25+$0x5460] =	vst v1;
	v1 =	vld.idx.msk [tilespmem:v57+s3+$0x0], $0xffff  }
0x241: {  	v58 =	vadd.s32 $0x190, v8;
	[tilespmem:s25+$0x5410] =	vst v54;
	v0 =	vld.idx.msk [tilespmem:v53+s3+$0x0], $0xffff  }
0x242: {  	v60 =	vadd.s32 $0x190, v43;
	[tilespmem:s25+$0x5400] =	vst v22;
	v17 =	vld.idx.msk [tilespmem:v17+s3+$0x0], $0xffff  }
0x243: {  	v39 =	vadd.s32 $0x190, v5;
	v32 =	vld.idx.msk [tilespmem:v32+s3+$0x0], $0xffff;
	[tilespmem:s25+$0x5420] =	vst v10  }
0x244: {  	v22 =	vadd.s32 $0x320, v4;
	v10 =	vld.idx.msk [tilespmem:v55+s3+$0x0], $0xffff;
	[tilespmem:s25+$0x5430] =	vst v59  }
0x245: {  	[tilespmem:s25+$0x5440] =	vst v61;
	v62 =	vld.idx.msk [tilespmem:v56+s3+$0x0], $0xffff  }
0x246: {  	v26 =	vadd.s32 $0x1F4, v9;
	v63 =	vld.idx.msk [tilespmem:v58+s3+$0x0], $0xffff;
	[tilespmem:s25+$0x5450] =	vst v1  }
0x247: {  	v38 =	vadd.s32 $0x1F4, v40;
	v1 =	vld.idx.msk [tilespmem:v60+s3+$0x0], $0xffff;
	[tilespmem:s25+$0x9470] =	vst v0  }
0x248: {  	v37 =	vadd.s32 $0x1F4, v7;
	[tilespmem:s25+$0x6460] =	vst v17;
	v17 =	vld.idx.msk [tilespmem:v39+s3+$0x0], $0xffff  }
0x249: {  	v34 =	vadd.s32 $0x1F4, v8;
	[tilespmem:s25+$0x6400] =	vst v32;
	v0 =	vld.idx.msk [tilespmem:v22+s3+$0x0], $0xffff  }
0x24a: {  	v4 =	vadd.s32 $0x384, v4;
	[tilespmem:s25+$0x6410] =	vst v10;
	v10 =	vld.idx.msk [tilespmem:v11+s3+$0x0], $0xffff  }
0x24b: {  	v35 =	vadd.s32 $0x1F4, v5;
	v11 =	vld.idx.msk [tilespmem:v26+s3+$0x0], $0xffff;
	[tilespmem:s25+$0x6420] =	vst v62  }
0x24c: {  	v36 =	vadd.s32 $0x1F4, v43;
	v22 =	vld.idx.msk [tilespmem:v38+s3+$0x0], $0xffff;
	[tilespmem:s25+$0x6430] =	vst v63  }
0x24d: {  	v26 =	vld.idx.msk [tilespmem:v37+s3+$0x0], $0xffff;
	[tilespmem:s25+$0x6440] =	vst v1  }
0x24e: {  	v2 =	vmov v24;
	v24 =	vadd.s32 $0x258, v9;
	v1 =	vld.idx.msk [tilespmem:v34+s3+$0x0], $0xffff;
	[tilespmem:s25+$0xA470] =	vst v0  }
0x24f: {  	[tilespmem:s25+$0x6450] =	vst v17;
	v0 =	vld.idx.msk [tilespmem:v4+s3+$0x0], $0xffff  }
0x250: {  	v28 =	vadd.s32 $0x258, v40;
	[tilespmem:s25+$0x7460] =	vst v10;
	v10 =	vld.idx.msk [tilespmem:v35+s3+$0x0], $0xffff  }
0x251: {  	v33 =	vadd.s32 $0x258, v7;
	v4 =	vld.idx.msk [tilespmem:v36+s3+$0x0], $0xffff  }
0x252: {  	v30 =	vadd.s32 $0x258, v8;
	[tilespmem:s25+$0x7400] =	vst v11;
	v3 =	vld.idx.msk [tilespmem:v3+s3+$0x0], $0xffff  }
0x253: {  	v31 =	vadd.s32 $0x258, v5;
	[tilespmem:s25+$0x7410] =	vst v22;
	v32 =	vld.idx.msk [tilespmem:v24+s3+$0x0], $0xffff  }
0x254: {  	[tilespmem:s25+$0xB470] =	vst v0;
	v0 =	vld [tilespmem:$0x1FFB0]  }
0x255: {  	v29 =	vadd.s32 $0x258, v43;
	[tilespmem:s25+$0x7420] =	vst v26;
	v28 =	vld.idx.msk [tilespmem:v28+s3+$0x0], $0xffff  }
0x256: {  	s28 =	sadd.s32 $0x8, s28;
	v27 =	vadd.s32 $0x2BC, v9;
	v11 =	vld.idx.msk [tilespmem:v33+s3+$0x0], $0xffff;
	[tilespmem:s25+$0x7430] =	vst v1  }
0x257: {  	p0 =	slt.u32 s28, $0xF8;
	v25 =	vadd.s32 $0x2BC, v40;
	v23 =	vadd.s32 $0x2BC, v7;
	v17 =	vld.idx.msk [tilespmem:v30+s3+$0x0], $0xffff;
	[tilespmem:s25+$0x7450] =	vst v10  }
.Ltmp4:
0x258: {  	v14 =	vadd.s32 $0x320, v8;
	v15 =	vadd.s32 $0x320, v9;
	v18 =	vadd.s32 $0x320, v40;
	[tilespmem:s25+$0x7440] =	vst v4;
	v24 =	vld.idx.msk [tilespmem:v31+s3+$0x0], $0xffff;
	(pc) =	sbr.rel @p0 .LBB2_9-.Ltmp4, $4  }
0x259: {  	v9 =	vadd.s32 $0x384, v9;
	v40 =	vadd.s32 $0x384, v40;
	v13 =	vadd.s32 $0x320, v5;
	[tilespmem:s25+$0x8400] =	vst v32;
	v32 =	vld [tilespmem:$0x1FFA0]  }
0x25a: {  	v12 =	vadd.s32 $0x320, v43;
	v20 =	vadd.s32 $0x2BC, v8;
	v21 =	vadd.s32 $0x2BC, v43;
	v22 =	vld.idx.msk [tilespmem:v29+s3+$0x0], $0xffff  }
0x25b: {  	v19 =	vadd.s32 $0x2BC, v5;
	v8 =	vadd.s32 $0x384, v8;
	v5 =	vadd.s32 $0x384, v5;
	v31 =	vmovc v2;
	[tilespmem:s25+$0x8460] =	vst v3;
	v2 =	vld.idx.msk [tilespmem:v27+s3+$0x0], $0xffff  }
0x25c: {  	s1 =	sadd.s32 $0x1, s1;
	v16 =	vadd.s32 $0x320, v7;
	v7 =	vadd.s32 $0x384, v7;
	v6 =	vadd.s32 $0x384, v43;
	[tilespmem:s25+$0x8410] =	vst v28;
	v26 =	vld.idx.msk [tilespmem:v0+s3+$0x0], $0xffff  }
0x25d: {  	_ =	sdelay $0x2  }
0x25e: {  	[tilespmem:s25+$0x8420] =	vst v11  }
0x25f: {  	v0 =	vld.idx.msk [tilespmem:v25+s3+$0x0], $0xffff;
	[tilespmem:s25+$0x8430] =	vst v17  }
0x260: {  	[tilespmem:s25+$0x8450] =	vst v24;
	v1 =	vld.idx.msk [tilespmem:v23+s3+$0x0], $0xffff  }
0x261: {  	v3 =	vld.idx.msk [tilespmem:v20+s3+$0x0], $0xffff;
	[tilespmem:s25+$0x8440] =	vst v22  }
0x262: {  	v50 =	vld.idx.msk [tilespmem:v19+s3+$0x0], $0xffff;
	[tilespmem:s25+$0x9400] =	vst v2  }
0x263: {  	v4 =	vld.idx.msk [tilespmem:v21+s3+$0x0], $0xffff;
	[tilespmem:s25+$0x9460] =	vst v26  }
0x264: {  	v52 =	vld.idx.msk [tilespmem:v15+s3+$0x0], $0xffff;
	[tilespmem:s25+$0x9410] =	vst v0  }
0x265: {  	v51 =	vld.idx.msk [tilespmem:v32+s3+$0x0], $0xffff;
	[tilespmem:s25+$0x9420] =	vst v1  }
0x266: {  	[tilespmem:s25+$0x9430] =	vst v3;
	v53 =	vld.idx.msk [tilespmem:v18+s3+$0x0], $0xffff  }
0x267: {  	[tilespmem:s25+$0x9450] =	vst v50;
	v54 =	vld.idx.msk [tilespmem:v16+s3+$0x0], $0xffff  }
0x268: {  	v10 =	vld.idx.msk [tilespmem:v14+s3+$0x0], $0xffff;
	[tilespmem:s25+$0x9440] =	vst v4  }
0x269: {  	v56 =	vld.idx.msk [tilespmem:v13+s3+$0x0], $0xffff;
	[tilespmem:s25+$0xA400] =	vst v52  }
0x26a: {  	v55 =	vld.idx.msk [tilespmem:v12+s3+$0x0], $0xffff;
	[tilespmem:s25+$0xA460] =	vst v51  }
0x26b: {  	v58 =	vld.idx.msk [tilespmem:v9+s3+$0x0], $0xffff;
	[tilespmem:s25+$0xA410] =	vst v53  }
0x26c: {  	v57 =	vld.idx.msk [tilespmem:v31+s3+$0x0], $0xffff;
	[tilespmem:s25+$0xA420] =	vst v54  }
0x26d: {  	[tilespmem:s25+$0xA430] =	vst v10;
	v59 =	vld.idx.msk [tilespmem:v40+s3+$0x0], $0xffff  }
0x26e: {  	[tilespmem:s25+$0xA450] =	vst v56;
	v60 =	vld.idx.msk [tilespmem:v7+s3+$0x0], $0xffff  }
0x26f: {  	v61 =	vld.idx.msk [tilespmem:v8+s3+$0x0], $0xffff;
	[tilespmem:s25+$0xA440] =	vst v55  }
0x270: {  	v63 =	vld.idx.msk [tilespmem:v5+s3+$0x0], $0xffff;
	[tilespmem:s25+$0xB400] =	vst v58  }
0x271: {  	v62 =	vld.idx.msk [tilespmem:v6+s3+$0x0], $0xffff;
	[tilespmem:s25+$0xB460] =	vst v57  }
0x272: {  	[tilespmem:s25+$0xB410] =	vst v59  }
0x273: {  	[tilespmem:s25+$0xB420] =	vst v60  }
0x274: {  	[tilespmem:s25+$0xB430] =	vst v61  }
0x275: {  	[tilespmem:s25+$0xB450] =	vst v63  }
0x276: {  	s24 =	sadd.s32 $0x1, s24;
	[tilespmem:s25+$0xB440] =	vst v62  }
0x277: {  	[hbm4b:s8+s17] =	stream.strided.scatter [tilespmem:s19], [sflag:$0x3], $0xA000, s18, s17, $0x38;
	[tilespmem:$0x16400] =	vst v63  }
0x278: {  	p0 =	sne.s32 s24, s9;
	_ =	swait.ge [sflag:s23], $0xA000  }
.Ltmp5:
0x279: {  	[sflag:s23] =	ssyncset.done $0x0;
	(pc) =	sbr.rel @p0 .LBB2_1-.Ltmp5, $4  }
0x27a: {  	[sflag:s23] =	ssyncadd.s32 $0xFFFF6000  }
0x27b: {  	_ =	swait.ge [sflag:s22], $0xA000  }
0x27c: {  	[sflag:s22] =	ssyncset.done $0x0  }
0x27d: {  	[sflag:s22] =	ssyncadd.s32 $0xFFFF6000  }
0x27e: {  	_ =	sfence.sel $0x180000  }
0x27f: {  	[bflag:$0x0] =	sbarrier.arrive $0xFFFF  }
0x280: {  	_ =	strace $0x90000047  }
0x281: {  	s0 =	stileid.u32;
	[bflag:$0x2] =	sbarrier.arrive $0xFFFF  }
0x282: {  	p0 =	sne.s32 s0, $0x0;
	s0 =	rddreg [dreg:$0x3]  }
0x283: {  	s0 =	sadd.s32 @!p0 $0x100000, s0  }
0x284: {  	[sflag:s0] =	ssyncadd.tile.s32 @!p0 $0x1;
	_ =	shalt  }
.Lfunc_end2:
_tile_overlayer_lowered:
.L_overlay_start_2:
0x285: {  	(tag) =	ssettag $0x2  }
0x286: {  	s0 =	rddreg [dreg:$0x0];
	s2 =	stileid.u32  }
0x287: {  	s1 =	rddreg [dreg:$0x1];
	p0 =	sne.s32 s2, $0x0  }
0x288: {  	s3 =	rddreg [dreg:$0x2];
	[bflag:$0x3] =	sbarrier.arrive $0xFFFF;
	s2 =	simm.s32 @!p0 $0x1C05  }
0x289: {  	[timem:s3], [sflag:s2] =	dma.local @!p0 [hbm:s0], s1  }
0x28a: {  	s0 =	simm.s32 @!p0 $0x5  }
0x28b: {  	_ =	swait.ge @!p0 [sflag:s0], s1  }
0x28c: {  	s1 =	ssub.s32 @!p0 $0x0, s1;
	[sflag:s0] =	ssyncset.done @!p0 $0x0  }
0x28d: {  	[sflag:s0] =	ssyncadd.s32 @!p0 s1  }
0x28e: {  	[bflag:$0x3] =	sbarrier.arrive $0xFFFF  }
0x28f: {  	_ =	shalt  }

</sc_bundles>
